<compile_context>
chip_gen: v7x
topology: tpu7x:2x2x1
jax: 0.10.2.dev20260603
libtpu: 0.0.44.dev20260713+nightly
codegen_flags: <defaults>
</compile_context>

<pallas_src>
import functools

import jax
import jax.numpy as jnp
from jax import lax
from jax.experimental import pallas as pl
from jax.experimental.pallas import tpu as pltpu
from jax.experimental.pallas import tpu_sc as plsc

B, H, W, C = 32, 32, 32, 768
E = 64
TOP_K = 8
PH = PW = 2
NPH, NPW = H // PH, W // PW
P = NPH * NPW

NSC = 8
NTC = B - NSC
NSTREAM = 8
IMGS = NSTREAM // 2
HH = H // 2
R = P * IMGS

NW = 32
NPR = NSC * NPH // NW


def _route(means, gw_bf, w_ref, i_ref, l_ref):
    n = means.shape[0]
    logits = jax.lax.dot_general(
        means.astype(jnp.bfloat16), gw_bf,
        dimension_numbers=(((1,), (1,)), ((), ())),
        preferred_element_type=jnp.float32,
    )
    l_ref[...] = logits
    iota_f = jax.lax.broadcasted_iota(jnp.int32, (n, E), 1).astype(jnp.float32)
    vals = logits
    ws, ids = [], []
    neg = jnp.float32(-jnp.inf)
    for _ in range(TOP_K):
        mk = jnp.max(vals, axis=-1, keepdims=True)
        idx = jnp.min(jnp.where(vals >= mk, iota_f, jnp.float32(E)),
                      axis=-1, keepdims=True)
        ws.append(mk)
        ids.append(idx)
        vals = jnp.where(iota_f == idx, neg, vals)
    lcat = jnp.concatenate(ws, axis=-1)
    icat = jnp.concatenate(ids, axis=-1)
    ex = jnp.exp(lcat - lcat[:, :1])
    w_ref[...] = ex / jnp.sum(ex, axis=-1, keepdims=True)
    i_ref[...] = icat.astype(jnp.int32)


def _tc_main_kernel(*refs):
    x_refs = refs[:NSTREAM]
    gw_ref, w_ref, i_ref, l_ref = refs[NSTREAM:]
    gw = gw_ref[...].astype(jnp.bfloat16)
    means_parts = []
    for q in range(NSTREAM):
        xb = x_refs[q][...]
        s = xb[:, :C] + xb[:, C:]
        s = s.reshape(HH // 2, 2, NPW, C)
        s = s[:, 0, :, :] + s[:, 1, :, :]
        means_parts.append(s.reshape(P // 2, C))
    means = jnp.concatenate(means_parts, axis=0) * 0.25
    _route(means, gw, w_ref, i_ref, l_ref)


def _tc_tail_kernel(m_ref, gw_ref, dep_ref, w_ref, i_ref, l_ref):
    del dep_ref
    _route(m_ref[...], gw_ref[...].astype(jnp.bfloat16), w_ref, i_ref, l_ref)


def _sc_pool_kernel(x_hbm, out_hbm, buf, obuf):
    wid = lax.axis_index("s") * 2 + lax.axis_index("c")

    def body(k, _):
        t = wid * NPR + k
        row0 = NTC * 512 + t * 32
        pltpu.sync_copy(x_hbm.at[pl.ds(row0, 32)], buf)

        def jloop(j, _):
            def cloop(c, _):
                a = buf[j, pl.ds(c * 16, 16)]
                b2 = buf[j, pl.ds(C + c * 16, 16)]
                c1 = buf[j + NPW, pl.ds(c * 16, 16)]
                d = buf[j + NPW, pl.ds(C + c * 16, 16)]
                obuf[j, pl.ds(c * 16, 16)] = ((a + b2) + (c1 + d)) * 0.25
                return 0
            return lax.fori_loop(0, C // 16, cloop, 0)

        lax.fori_loop(0, NPW, jloop, 0)
        pltpu.sync_copy(obuf, out_hbm.at[pl.ds(t * NPW, NPW)])
        return 0

    lax.fori_loop(0, NPR, body, 0)


@jax.jit
def kernel(x, spatial_shape, gate_w):
    del spatial_shape
    b = x.shape[0]
    xflat = x.reshape(b * 512, 2 * C)

    sc_pool = pl.kernel(
        _sc_pool_kernel,
        out_type=jax.ShapeDtypeStruct((NSC * P, C), jnp.float32),
        mesh=plsc.VectorSubcoreMesh(core_axis_name="c", subcore_axis_name="s"),
        scratch_types=[
            pltpu.VMEM((2 * NPW, 2 * C), jnp.float32),
            pltpu.VMEM((NPW, C), jnp.float32),
        ],
    )
    means_sc = sc_pool(xflat)

    HROWS = HH * (W // 2)

    def make_spec(q):
        return pl.BlockSpec((HROWS, 2 * C),
                            lambda i, q=q: (NSTREAM * i + q, 0))

    out_main = pl.pallas_call(
        _tc_main_kernel,
        grid=(NTC // IMGS,),
        in_specs=[make_spec(q) for q in range(NSTREAM)]
        + [pl.BlockSpec((E, C), lambda i: (0, 0))],
        out_specs=[
            pl.BlockSpec((R, TOP_K), lambda i: (i, 0)),
            pl.BlockSpec((R, TOP_K), lambda i: (i, 0)),
            pl.BlockSpec((R, E), lambda i: (i, 0)),
        ],
        out_shape=[
            jax.ShapeDtypeStruct((NTC * P, TOP_K), jnp.float32),
            jax.ShapeDtypeStruct((NTC * P, TOP_K), jnp.int32),
            jax.ShapeDtypeStruct((NTC * P, E), jnp.float32),
        ],
    )(*([xflat] * NSTREAM), gate_w)

    out_tail = pl.pallas_call(
        _tc_tail_kernel,
        grid=(1,),
        in_specs=[
            pl.BlockSpec((NSC * P, C), lambda i: (0, 0)),
            pl.BlockSpec((E, C), lambda i: (0, 0)),
            pl.BlockSpec((8, E), lambda i: (0, 0)),
        ],
        out_specs=[
            pl.BlockSpec((NSC * P, TOP_K), lambda i: (0, 0)),
            pl.BlockSpec((NSC * P, TOP_K), lambda i: (0, 0)),
            pl.BlockSpec((NSC * P, E), lambda i: (0, 0)),
        ],
        out_shape=[
            jax.ShapeDtypeStruct((NSC * P, TOP_K), jnp.float32),
            jax.ShapeDtypeStruct((NSC * P, TOP_K), jnp.int32),
            jax.ShapeDtypeStruct((NSC * P, E), jnp.float32),
        ],
    )(means_sc, gate_w, out_main[2])

    return (jnp.concatenate([out_main[0], out_tail[0]], axis=0),
            jnp.concatenate([out_main[1], out_tail[1]], axis=0),
            jnp.concatenate([out_main[2], out_tail[2]], axis=0))

# --- scband reference (transcript-rebuilt; emitter-appended) ---
"""Pipeline reference for scband-patch-level-router-37915971289527 (READ-ONLY COPY).

The authoritative reference and input builder live on the scoring server;
editing this copy changes nothing except your own understanding.
"""

import jax, jax.numpy as jnp
import numpy as np

B, H, W, C = 32, 32, 32, 768
E = 64
TOP_K = 8
PATCH_SIZE = 2

def setup_inputs(seed: int = 0) -> dict:
    key = jax.random.key(seed)
    k1, k2 = jax.random.split(key)
    x = jax.random.normal(k1, (B, H, W, C), dtype=jnp.float32)
    # spatial_shape values are unused in the 4D input path (H,W taken from x.shape)
    spatial_shape = jnp.array([H, W], dtype=jnp.int32)
    gate_w = 0.01 * jax.random.normal(k2, (E, C), dtype=jnp.float32)
    return {"x": x, "spatial_shape": spatial_shape, "gate_w": gate_w}

def reference(x, spatial_shape, gate_w):
    b, h_in, w_in, c = x.shape
    e = gate_w.shape[0]
    # x: [B,H,W,C] -> [B,C,H,W]
    x_2d = jnp.transpose(x, (0, 3, 1, 2))
    patch_h = min(PATCH_SIZE, h_in)
    patch_w = min(PATCH_SIZE, w_in)
    nph = (h_in + patch_h - 1) // patch_h
    npw = (w_in + patch_w - 1) // patch_w
    num_patches = nph * npw
    pad_h = (nph * patch_h - h_in) % patch_h
    pad_w = (npw * patch_w - w_in) % patch_w
    if pad_h > 0 or pad_w > 0:
        x_2d = jnp.pad(x_2d, ((0, 0), (0, 0), (0, pad_h), (0, pad_w)))
    # unfold(2, ph, ph).unfold(3, pw, pw) -> [B,C,nph,npw,ph,pw] -> view [B,C,P,ph,pw]
    patches = x_2d.reshape(b, c, nph, patch_h, npw, patch_w)
    patches = jnp.transpose(patches, (0, 1, 2, 4, 3, 5))
    patches = patches.reshape(b, c, num_patches, patch_h, patch_w)
    # gate = AdaptiveAvgPool2d(1) + Flatten + Linear(C->E, no bias), applied per patch.
    # Vectorized over patches (same math as torch per-patch loop).
    means = patches.mean(axis=(3, 4))              # [B, C, P]
    means = jnp.transpose(means, (0, 2, 1))        # [B, P, C]
    logits = means @ gate_w.T                      # [B, P, E]
    router_logits = logits.reshape(b * num_patches, e)
    router_probs = jax.nn.softmax(router_logits, axis=-1)
    expert_weights, expert_indices = jax.lax.top_k(router_probs, TOP_K)
    expert_weights = expert_weights / (expert_weights.sum(axis=-1, keepdims=True) + 1e-9)
    return (expert_weights, expert_indices, router_logits)

if __name__ == "__main__":
    import jax
    _d = setup_inputs()
    print(jax.jit(kernel)(*tuple(_d.values())))

</pallas_src>

<mosaic_0001>
#map = affine_map<(d0, d1) -> (0, 0)>
module attributes {stable_mosaic.version = 14 : i64} {
  func.func @_sc_pool_kernel(%arg0: i32, %arg1: i32, %arg2: memref<16384x1536xf32, #tpu.memory_space<hbm>>, %arg3: memref<2048x768xf32, #tpu.memory_space<hbm>>, %arg4: memref<32x1536xf32, #tpu.memory_space<vmem>>, %arg5: memref<16x768xf32, #tpu.memory_space<vmem>>) attributes {dimension_semantics = [#tpu.dimension_semantics<core_parallel>, #tpu.dimension_semantics<subcore_parallel>], iteration_bounds = array<i64: 2, 16>, scalar_prefetch = 0 : i64, scratch_operands = 2 : i64, tpu.core_type = #tpu.core_type<sc_vector_subcore>, window_params = [{transform_indices = #map}, {transform_indices = #map}]} {
    %mul3A = arith.constant 2 : i32
    %mul3A_0 = arith.muli %arg1, %mul3A : i32
    %add3A = arith.addi %mul3A_0, %arg0 : i32
    %scan3A = arith.constant 0 : i32
    %scan3A_1 = arith.constant 0 : i32
    %scan3A_2 = arith.constant 4 : i32
    %scan3A_3 = arith.addi %scan3A_1, %scan3A_2 : i32
    %scan3A_4 = arith.constant 1 : i32
    %scan3A_5 = scf.for %scan3A_7 = %scan3A_1 to %scan3A_3 step %scan3A_4 iter_args(%scan3A_8 = %scan3A) -> (i32)  : i32 {
      %mul3A_9 = arith.constant 4 : i32
      %mul3A_10 = arith.muli %add3A, %mul3A_9 : i32
      %add3A_11 = arith.addi %mul3A_10, %scan3A_7 : i32
      %mul3A_12 = arith.constant 32 : i32
      %mul3A_13 = arith.muli %add3A_11, %mul3A_12 : i32
      %add3A_14 = arith.constant 12288 : i32
      %add3A_15 = arith.addi %add3A_14, %mul3A_13 : i32
      "tpu.region"() ({
        %run_scoped3A = tpu.sem_alloc : memref<!tpu.dma_semaphore, #tpu.memory_space<semaphore_mem>>
        %dma_start3A = arith.constant 0 : i32
        %dma_start3A_26 = tpu.memref_slice %arg2[%add3A_15, %dma_start3A] : memref<16384x1536xf32, #tpu.memory_space<hbm>> -> memref<32x1536xf32, #tpu.memory_space<hbm>>
        %dma_start3A_27 = arith.constant 0 : i32
        %dma_start3A_28 = tpu.memref_slice %arg2[%add3A_15, %dma_start3A_27] : memref<16384x1536xf32, #tpu.memory_space<hbm>> -> memref<32x1536xf32, #tpu.memory_space<hbm>>
        tpu.enqueue_dma source(%dma_start3A_28 : memref<32x1536xf32, #tpu.memory_space<hbm>>) target(%arg4 : memref<32x1536xf32, #tpu.memory_space<vmem>>) target_semaphore(%run_scoped3A : memref<!tpu.dma_semaphore, #tpu.memory_space<semaphore_mem>>)
        %dma_wait3A = arith.constant 0 : i32
        %dma_wait3A_29 = tpu.memref_slice %arg2[%add3A_15, %dma_wait3A] : memref<16384x1536xf32, #tpu.memory_space<hbm>> -> memref<32x1536xf32, #tpu.memory_space<hbm>>
        %dma_wait3A_30 = arith.constant 0 : i32
        %dma_wait3A_31 = tpu.memref_slice %arg2[%add3A_15, %dma_wait3A_30] : memref<16384x1536xf32, #tpu.memory_space<hbm>> -> memref<32x1536xf32, #tpu.memory_space<hbm>>
        tpu.wait_dma2 semaphore(%run_scoped3A : memref<!tpu.dma_semaphore, #tpu.memory_space<semaphore_mem>>) src(%dma_wait3A_31 : memref<32x1536xf32, #tpu.memory_space<hbm>>) dst(%arg4 : memref<32x1536xf32, #tpu.memory_space<vmem>>)
        tpu.yield
      }) : () -> ()
      %scan3A_16 = arith.constant 0 : i32
      %scan3A_17 = arith.constant 0 : i32
      %scan3A_18 = arith.constant 16 : i32
      %scan3A_19 = arith.addi %scan3A_17, %scan3A_18 : i32
      %scan3A_20 = arith.constant 1 : i32
      %scan3A_21 = scf.for %scan3A_26 = %scan3A_17 to %scan3A_19 step %scan3A_20 iter_args(%scan3A_27 = %scan3A_16) -> (i32)  : i32 {
        %scan3A_28 = arith.constant 0 : i32
        %scan3A_29 = arith.constant 0 : i32
        %scan3A_30 = arith.constant 48 : i32
        %scan3A_31 = arith.addi %scan3A_29, %scan3A_30 : i32
        %scan3A_32 = arith.constant 1 : i32
        %scan3A_33 = scf.for %scan3A_35 = %scan3A_29 to %scan3A_31 step %scan3A_32 iter_args(%scan3A_36 = %scan3A_28) -> (i32)  : i32 {
          %mul3A_37 = arith.constant 16 : i32
          %mul3A_38 = arith.muli %scan3A_35, %mul3A_37 : i32
          %get3A = arith.index_cast %scan3A_26 : i32 to index
          %get3A_39 = arith.index_cast %mul3A_38 : i32 to index
          %get3A_40 = tpu.vector_load %arg4[%get3A, %get3A_39] {strides = array<i32>} : memref<32x1536xf32, #tpu.memory_space<vmem>>, vector<1x16xf32>,
          %get3A_41 = vector.shape_cast %get3A_40 : vector<1x16xf32> to vector<16xf32>
          %mul3A_42 = arith.constant 16 : i32
          %mul3A_43 = arith.muli %scan3A_35, %mul3A_42 : i32
          %add3A_44 = arith.constant 768 : i32
          %add3A_45 = arith.addi %add3A_44, %mul3A_43 : i32
          %get3A_46 = arith.index_cast %scan3A_26 : i32 to index
          %get3A_47 = arith.index_cast %add3A_45 : i32 to index
          %get3A_48 = tpu.vector_load %arg4[%get3A_46, %get3A_47] {strides = array<i32>} : memref<32x1536xf32, #tpu.memory_space<vmem>>, vector<1x16xf32>,
          %get3A_49 = vector.shape_cast %get3A_48 : vector<1x16xf32> to vector<16xf32>
          %add3A_50 = arith.constant 16 : i32
          %add3A_51 = arith.addi %scan3A_26, %add3A_50 : i32
          %mul3A_52 = arith.constant 16 : i32
          %mul3A_53 = arith.muli %scan3A_35, %mul3A_52 : i32
          %get3A_54 = arith.index_cast %add3A_51 : i32 to index
          %get3A_55 = arith.index_cast %mul3A_53 : i32 to index
          %get3A_56 = tpu.vector_load %arg4[%get3A_54, %get3A_55] {strides = array<i32>} : memref<32x1536xf32, #tpu.memory_space<vmem>>, vector<1x16xf32>,
          %get3A_57 = vector.shape_cast %get3A_56 : vector<1x16xf32> to vector<16xf32>
          %add3A_58 = arith.constant 16 : i32
          %add3A_59 = arith.addi %scan3A_26, %add3A_58 : i32
          %mul3A_60 = arith.constant 16 : i32
          %mul3A_61 = arith.muli %scan3A_35, %mul3A_60 : i32
          %add3A_62 = arith.constant 768 : i32
          %add3A_63 = arith.addi %add3A_62, %mul3A_61 : i32
          %get3A_64 = arith.index_cast %add3A_59 : i32 to index
          %get3A_65 = arith.index_cast %add3A_63 : i32 to index
          %get3A_66 = tpu.vector_load %arg4[%get3A_64, %get3A_65] {strides = array<i32>} : memref<32x1536xf32, #tpu.memory_space<vmem>>, vector<1x16xf32>,
          %get3A_67 = vector.shape_cast %get3A_66 : vector<1x16xf32> to vector<16xf32>
          %add3A_68 = arith.addf %get3A_41, %get3A_49 : vector<16xf32>
          %add3A_69 = arith.addf %get3A_57, %get3A_67 : vector<16xf32>
          %add3A_70 = arith.addf %add3A_68, %add3A_69 : vector<16xf32>
          %mul3A_71 = arith.constant 2.500000e-01 : f32
          %mul3A_72 = vector.broadcast %mul3A_71 : f32 to vector<16xf32>
          %mul3A_73 = arith.mulf %add3A_70, %mul3A_72 : vector<16xf32>
          %mul3A_74 = arith.constant 16 : i32
          %mul3A_75 = arith.muli %scan3A_35, %mul3A_74 : i32
          %swap3A = arith.index_cast %scan3A_26 : i32 to index
          %swap3A_76 = arith.index_cast %mul3A_75 : i32 to index
          %swap3A_77 = tpu.vector_load %arg5[%swap3A, %swap3A_76] {strides = array<i32>} : memref<16x768xf32, #tpu.memory_space<vmem>>, vector<1x16xf32>,
          %swap3A_78 = vector.shape_cast %swap3A_77 : vector<1x16xf32> to vector<16xf32>
          %swap3A_79 = vector.shape_cast %mul3A_73 : vector<16xf32> to vector<1x16xf32>
          tpu.vector_store %arg5[%swap3A, %swap3A_76], %swap3A_79 {strides = array<i32>} : memref<16x768xf32, #tpu.memory_space<vmem>>, vector<1x16xf32>,
          %scan3A_80 = arith.constant 0 : i32
          scf.yield %scan3A_80 : i32
        }
        %scan3A_34 = arith.constant 48 : i32
        scf.yield %scan3A_33 : i32
      }
      %scan3A_22 = arith.constant 16 : i32
      %mul3A_23 = arith.constant 16 : i32
      %mul3A_24 = arith.muli %add3A_11, %mul3A_23 : i32
      "tpu.region"() ({
        %run_scoped3A = tpu.sem_alloc : memref<!tpu.dma_semaphore, #tpu.memory_space<semaphore_mem>>
        %dma_start3A = arith.constant 0 : i32
        %dma_start3A_26 = tpu.memref_slice %arg3[%mul3A_24, %dma_start3A] : memref<2048x768xf32, #tpu.memory_space<hbm>> -> memref<16x768xf32, #tpu.memory_space<hbm>>
        %dma_start3A_27 = arith.constant 0 : i32
        %dma_start3A_28 = tpu.memref_slice %arg3[%mul3A_24, %dma_start3A_27] : memref<2048x768xf32, #tpu.memory_space<hbm>> -> memref<16x768xf32, #tpu.memory_space<hbm>>
        tpu.enqueue_dma source(%arg5 : memref<16x768xf32, #tpu.memory_space<vmem>>) target(%dma_start3A_28 : memref<16x768xf32, #tpu.memory_space<hbm>>) target_semaphore(%run_scoped3A : memref<!tpu.dma_semaphore, #tpu.memory_space<semaphore_mem>>)
        %dma_wait3A = arith.constant 0 : i32
        %dma_wait3A_29 = tpu.memref_slice %arg3[%mul3A_24, %dma_wait3A] : memref<2048x768xf32, #tpu.memory_space<hbm>> -> memref<16x768xf32, #tpu.memory_space<hbm>>
        %dma_wait3A_30 = arith.constant 0 : i32
        %dma_wait3A_31 = tpu.memref_slice %arg3[%mul3A_24, %dma_wait3A_30] : memref<2048x768xf32, #tpu.memory_space<hbm>> -> memref<16x768xf32, #tpu.memory_space<hbm>>
        tpu.wait_dma2 semaphore(%run_scoped3A : memref<!tpu.dma_semaphore, #tpu.memory_space<semaphore_mem>>) src(%arg5 : memref<16x768xf32, #tpu.memory_space<vmem>>) dst(%dma_wait3A_31 : memref<16x768xf32, #tpu.memory_space<hbm>>)
        tpu.yield
      }) : () -> ()
      %scan3A_25 = arith.constant 0 : i32
      scf.yield %scan3A_25 : i32
    }
    %scan3A_6 = arith.constant 4 : i32
    return
  }
}

module attributes {stable_mosaic.version = 14 : i64} {
  func.func @_tc_main_kernel(%arg0: i32, %arg1: memref<256x1536xf32, #tpu.memory_space<vmem>>, %arg2: memref<256x1536xf32, #tpu.memory_space<vmem>>, %arg3: memref<256x1536xf32, #tpu.memory_space<vmem>>, %arg4: memref<256x1536xf32, #tpu.memory_space<vmem>>, %arg5: memref<256x1536xf32, #tpu.memory_space<vmem>>, %arg6: memref<256x1536xf32, #tpu.memory_space<vmem>>, %arg7: memref<256x1536xf32, #tpu.memory_space<vmem>>, %arg8: memref<256x1536xf32, #tpu.memory_space<vmem>>, %arg9: memref<64x768xf32, #tpu.memory_space<vmem>>, %arg10: memref<1024x8xf32, #tpu.memory_space<vmem>>, %arg11: memref<1024x8xi32, #tpu.memory_space<vmem>>, %arg12: memref<1024x64xf32, #tpu.memory_space<vmem>>) attributes {dimension_semantics = [#tpu.dimension_semantics<arbitrary>], iteration_bounds = array<i64: 6>, scalar_prefetch = 0 : i64, scratch_operands = 0 : i64, tpu.core_type = #tpu.core_type<tc>, window_params = [{transform_indices = @transform_0, window_bounds = array<i64: 256, 1536>}, {transform_indices = @transform_1, window_bounds = array<i64: 256, 1536>}, {transform_indices = @transform_2, window_bounds = array<i64: 256, 1536>}, {transform_indices = @transform_3, window_bounds = array<i64: 256, 1536>}, {transform_indices = @transform_4, window_bounds = array<i64: 256, 1536>}, {transform_indices = @transform_5, window_bounds = array<i64: 256, 1536>}, {transform_indices = @transform_6, window_bounds = array<i64: 256, 1536>}, {transform_indices = @transform_7, window_bounds = array<i64: 256, 1536>}, {pipeline_mode = #tpu.pipeline_mode<synchronous>, transform_indices = @transform_8, window_bounds = array<i64: 64, 768>}, {transform_indices = @transform_9, window_bounds = array<i64: 1024, 8>}, {transform_indices = @transform_10, window_bounds = array<i64: 1024, 8>}, {transform_indices = @transform_11, window_bounds = array<i64: 1024, 64>}]} {
    %get3A = arith.constant 0 : index
    %get3A_0 = arith.constant 0 : index
    %get3A_1 = vector.load %arg9[%get3A, %get3A_0] : memref<64x768xf32, #tpu.memory_space<vmem>>, vector<64x768xf32>
    %convert_element_type3A = arith.truncf %get3A_1 : vector<64x768xf32> to vector<64x768xbf16>
    %get3A_2 = arith.constant 0 : index
    %get3A_3 = arith.constant 0 : index
    %get3A_4 = vector.load %arg1[%get3A_2, %get3A_3] : memref<256x1536xf32, #tpu.memory_space<vmem>>, vector<256x1536xf32>
    %slice3A = vector.extract_strided_slice %get3A_4 {offsets = [0, 0], sizes = [256, 768], strides = [1, 1]} : vector<256x1536xf32> to vector<256x768xf32>
    %slice3A_5 = vector.extract_strided_slice %get3A_4 {offsets = [0, 768], sizes = [256, 768], strides = [1, 1]} : vector<256x1536xf32> to vector<256x768xf32>
    %add3A = arith.addf %slice3A, %slice3A_5 : vector<256x768xf32>
    %reshape3A = vector.shape_cast %add3A : vector<256x768xf32> to vector<8x2x16x768xf32>
    %slice3A_6 = vector.extract_strided_slice %reshape3A {offsets = [0, 0, 0, 0], sizes = [8, 1, 16, 768], strides = [1, 1, 1, 1]} : vector<8x2x16x768xf32> to vector<8x1x16x768xf32>
    %squeeze3A = vector.shape_cast %slice3A_6 : vector<8x1x16x768xf32> to vector<8x16x768xf32>
    %slice3A_7 = vector.extract_strided_slice %reshape3A {offsets = [0, 1, 0, 0], sizes = [8, 1, 16, 768], strides = [1, 1, 1, 1]} : vector<8x2x16x768xf32> to vector<8x1x16x768xf32>
    %squeeze3A_8 = vector.shape_cast %slice3A_7 : vector<8x1x16x768xf32> to vector<8x16x768xf32>
    %add3A_9 = arith.addf %squeeze3A, %squeeze3A_8 : vector<8x16x768xf32>
    %reshape3A_10 = vector.shape_cast %add3A_9 : vector<8x16x768xf32> to vector<128x768xf32>
    %get3A_11 = arith.constant 0 : index
    %get3A_12 = arith.constant 0 : index
    %get3A_13 = vector.load %arg2[%get3A_11, %get3A_12] : memref<256x1536xf32, #tpu.memory_space<vmem>>, vector<256x1536xf32>
    %slice3A_14 = vector.extract_strided_slice %get3A_13 {offsets = [0, 0], sizes = [256, 768], strides = [1, 1]} : vector<256x1536xf32> to vector<256x768xf32>
    %slice3A_15 = vector.extract_strided_slice %get3A_13 {offsets = [0, 768], sizes = [256, 768], strides = [1, 1]} : vector<256x1536xf32> to vector<256x768xf32>
    %add3A_16 = arith.addf %slice3A_14, %slice3A_15 : vector<256x768xf32>
    %reshape3A_17 = vector.shape_cast %add3A_16 : vector<256x768xf32> to vector<8x2x16x768xf32>
    %slice3A_18 = vector.extract_strided_slice %reshape3A_17 {offsets = [0, 0, 0, 0], sizes = [8, 1, 16, 768], strides = [1, 1, 1, 1]} : vector<8x2x16x768xf32> to vector<8x1x16x768xf32>
    %squeeze3A_19 = vector.shape_cast %slice3A_18 : vector<8x1x16x768xf32> to vector<8x16x768xf32>
    %slice3A_20 = vector.extract_strided_slice %reshape3A_17 {offsets = [0, 1, 0, 0], sizes = [8, 1, 16, 768], strides = [1, 1, 1, 1]} : vector<8x2x16x768xf32> to vector<8x1x16x768xf32>
    %squeeze3A_21 = vector.shape_cast %slice3A_20 : vector<8x1x16x768xf32> to vector<8x16x768xf32>
    %add3A_22 = arith.addf %squeeze3A_19, %squeeze3A_21 : vector<8x16x768xf32>
    %reshape3A_23 = vector.shape_cast %add3A_22 : vector<8x16x768xf32> to vector<128x768xf32>
    %get3A_24 = arith.constant 0 : index
    %get3A_25 = arith.constant 0 : index
    %get3A_26 = vector.load %arg3[%get3A_24, %get3A_25] : memref<256x1536xf32, #tpu.memory_space<vmem>>, vector<256x1536xf32>
    %slice3A_27 = vector.extract_strided_slice %get3A_26 {offsets = [0, 0], sizes = [256, 768], strides = [1, 1]} : vector<256x1536xf32> to vector<256x768xf32>
    %slice3A_28 = vector.extract_strided_slice %get3A_26 {offsets = [0, 768], sizes = [256, 768], strides = [1, 1]} : vector<256x1536xf32> to vector<256x768xf32>
    %add3A_29 = arith.addf %slice3A_27, %slice3A_28 : vector<256x768xf32>
    %reshape3A_30 = vector.shape_cast %add3A_29 : vector<256x768xf32> to vector<8x2x16x768xf32>
    %slice3A_31 = vector.extract_strided_slice %reshape3A_30 {offsets = [0, 0, 0, 0], sizes = [8, 1, 16, 768], strides = [1, 1, 1, 1]} : vector<8x2x16x768xf32> to vector<8x1x16x768xf32>
    %squeeze3A_32 = vector.shape_cast %slice3A_31 : vector<8x1x16x768xf32> to vector<8x16x768xf32>
    %slice3A_33 = vector.extract_strided_slice %reshape3A_30 {offsets = [0, 1, 0, 0], sizes = [8, 1, 16, 768], strides = [1, 1, 1, 1]} : vector<8x2x16x768xf32> to vector<8x1x16x768xf32>
    %squeeze3A_34 = vector.shape_cast %slice3A_33 : vector<8x1x16x768xf32> to vector<8x16x768xf32>
    %add3A_35 = arith.addf %squeeze3A_32, %squeeze3A_34 : vector<8x16x768xf32>
    %reshape3A_36 = vector.shape_cast %add3A_35 : vector<8x16x768xf32> to vector<128x768xf32>
    %get3A_37 = arith.constant 0 : index
    %get3A_38 = arith.constant 0 : index
    %get3A_39 = vector.load %arg4[%get3A_37, %get3A_38] : memref<256x1536xf32, #tpu.memory_space<vmem>>, vector<256x1536xf32>
    %slice3A_40 = vector.extract_strided_slice %get3A_39 {offsets = [0, 0], sizes = [256, 768], strides = [1, 1]} : vector<256x1536xf32> to vector<256x768xf32>
    %slice3A_41 = vector.extract_strided_slice %get3A_39 {offsets = [0, 768], sizes = [256, 768], strides = [1, 1]} : vector<256x1536xf32> to vector<256x768xf32>
    %add3A_42 = arith.addf %slice3A_40, %slice3A_41 : vector<256x768xf32>
    %reshape3A_43 = vector.shape_cast %add3A_42 : vector<256x768xf32> to vector<8x2x16x768xf32>
    %slice3A_44 = vector.extract_strided_slice %reshape3A_43 {offsets = [0, 0, 0, 0], sizes = [8, 1, 16, 768], strides = [1, 1, 1, 1]} : vector<8x2x16x768xf32> to vector<8x1x16x768xf32>
    %squeeze3A_45 = vector.shape_cast %slice3A_44 : vector<8x1x16x768xf32> to vector<8x16x768xf32>
    %slice3A_46 = vector.extract_strided_slice %reshape3A_43 {offsets = [0, 1, 0, 0], sizes = [8, 1, 16, 768], strides = [1, 1, 1, 1]} : vector<8x2x16x768xf32> to vector<8x1x16x768xf32>
    %squeeze3A_47 = vector.shape_cast %slice3A_46 : vector<8x1x16x768xf32> to vector<8x16x768xf32>
    %add3A_48 = arith.addf %squeeze3A_45, %squeeze3A_47 : vector<8x16x768xf32>
    %reshape3A_49 = vector.shape_cast %add3A_48 : vector<8x16x768xf32> to vector<128x768xf32>
    %get3A_50 = arith.constant 0 : index
    %get3A_51 = arith.constant 0 : index
    %get3A_52 = vector.load %arg5[%get3A_50, %get3A_51] : memref<256x1536xf32, #tpu.memory_space<vmem>>, vector<256x1536xf32>
    %slice3A_53 = vector.extract_strided_slice %get3A_52 {offsets = [0, 0], sizes = [256, 768], strides = [1, 1]} : vector<256x1536xf32> to vector<256x768xf32>
    %slice3A_54 = vector.extract_strided_slice %get3A_52 {offsets = [0, 768], sizes = [256, 768], strides = [1, 1]} : vector<256x1536xf32> to vector<256x768xf32>
    %add3A_55 = arith.addf %slice3A_53, %slice3A_54 : vector<256x768xf32>
    %reshape3A_56 = vector.shape_cast %add3A_55 : vector<256x768xf32> to vector<8x2x16x768xf32>
    %slice3A_57 = vector.extract_strided_slice %reshape3A_56 {offsets = [0, 0, 0, 0], sizes = [8, 1, 16, 768], strides = [1, 1, 1, 1]} : vector<8x2x16x768xf32> to vector<8x1x16x768xf32>
    %squeeze3A_58 = vector.shape_cast %slice3A_57 : vector<8x1x16x768xf32> to vector<8x16x768xf32>
    %slice3A_59 = vector.extract_strided_slice %reshape3A_56 {offsets = [0, 1, 0, 0], sizes = [8, 1, 16, 768], strides = [1, 1, 1, 1]} : vector<8x2x16x768xf32> to vector<8x1x16x768xf32>
    %squeeze3A_60 = vector.shape_cast %slice3A_59 : vector<8x1x16x768xf32> to vector<8x16x768xf32>
    %add3A_61 = arith.addf %squeeze3A_58, %squeeze3A_60 : vector<8x16x768xf32>
    %reshape3A_62 = vector.shape_cast %add3A_61 : vector<8x16x768xf32> to vector<128x768xf32>
    %get3A_63 = arith.constant 0 : index
    %get3A_64 = arith.constant 0 : index
    %get3A_65 = vector.load %arg6[%get3A_63, %get3A_64] : memref<256x1536xf32, #tpu.memory_space<vmem>>, vector<256x1536xf32>
    %slice3A_66 = vector.extract_strided_slice %get3A_65 {offsets = [0, 0], sizes = [256, 768], strides = [1, 1]} : vector<256x1536xf32> to vector<256x768xf32>
    %slice3A_67 = vector.extract_strided_slice %get3A_65 {offsets = [0, 768], sizes = [256, 768], strides = [1, 1]} : vector<256x1536xf32> to vector<256x768xf32>
    %add3A_68 = arith.addf %slice3A_66, %slice3A_67 : vector<256x768xf32>
    %reshape3A_69 = vector.shape_cast %add3A_68 : vector<256x768xf32> to vector<8x2x16x768xf32>
    %slice3A_70 = vector.extract_strided_slice %reshape3A_69 {offsets = [0, 0, 0, 0], sizes = [8, 1, 16, 768], strides = [1, 1, 1, 1]} : vector<8x2x16x768xf32> to vector<8x1x16x768xf32>
    %squeeze3A_71 = vector.shape_cast %slice3A_70 : vector<8x1x16x768xf32> to vector<8x16x768xf32>
    %slice3A_72 = vector.extract_strided_slice %reshape3A_69 {offsets = [0, 1, 0, 0], sizes = [8, 1, 16, 768], strides = [1, 1, 1, 1]} : vector<8x2x16x768xf32> to vector<8x1x16x768xf32>
    %squeeze3A_73 = vector.shape_cast %slice3A_72 : vector<8x1x16x768xf32> to vector<8x16x768xf32>
    %add3A_74 = arith.addf %squeeze3A_71, %squeeze3A_73 : vector<8x16x768xf32>
    %reshape3A_75 = vector.shape_cast %add3A_74 : vector<8x16x768xf32> to vector<128x768xf32>
    %get3A_76 = arith.constant 0 : index
    %get3A_77 = arith.constant 0 : index
    %get3A_78 = vector.load %arg7[%get3A_76, %get3A_77] : memref<256x1536xf32, #tpu.memory_space<vmem>>, vector<256x1536xf32>
    %slice3A_79 = vector.extract_strided_slice %get3A_78 {offsets = [0, 0], sizes = [256, 768], strides = [1, 1]} : vector<256x1536xf32> to vector<256x768xf32>
    %slice3A_80 = vector.extract_strided_slice %get3A_78 {offsets = [0, 768], sizes = [256, 768], strides = [1, 1]} : vector<256x1536xf32> to vector<256x768xf32>
    %add3A_81 = arith.addf %slice3A_79, %slice3A_80 : vector<256x768xf32>
    %reshape3A_82 = vector.shape_cast %add3A_81 : vector<256x768xf32> to vector<8x2x16x768xf32>
    %slice3A_83 = vector.extract_strided_slice %reshape3A_82 {offsets = [0, 0, 0, 0], sizes = [8, 1, 16, 768], strides = [1, 1, 1, 1]} : vector<8x2x16x768xf32> to vector<8x1x16x768xf32>
    %squeeze3A_84 = vector.shape_cast %slice3A_83 : vector<8x1x16x768xf32> to vector<8x16x768xf32>
    %slice3A_85 = vector.extract_strided_slice %reshape3A_82 {offsets = [0, 1, 0, 0], sizes = [8, 1, 16, 768], strides = [1, 1, 1, 1]} : vector<8x2x16x768xf32> to vector<8x1x16x768xf32>
    %squeeze3A_86 = vector.shape_cast %slice3A_85 : vector<8x1x16x768xf32> to vector<8x16x768xf32>
    %add3A_87 = arith.addf %squeeze3A_84, %squeeze3A_86 : vector<8x16x768xf32>
    %reshape3A_88 = vector.shape_cast %add3A_87 : vector<8x16x768xf32> to vector<128x768xf32>
    %get3A_89 = arith.constant 0 : index
    %get3A_90 = arith.constant 0 : index
    %get3A_91 = vector.load %arg8[%get3A_89, %get3A_90] : memref<256x1536xf32, #tpu.memory_space<vmem>>, vector<256x1536xf32>
    %slice3A_92 = vector.extract_strided_slice %get3A_91 {offsets = [0, 0], sizes = [256, 768], strides = [1, 1]} : vector<256x1536xf32> to vector<256x768xf32>
    %slice3A_93 = vector.extract_strided_slice %get3A_91 {offsets = [0, 768], sizes = [256, 768], strides = [1, 1]} : vector<256x1536xf32> to vector<256x768xf32>
    %add3A_94 = arith.addf %slice3A_92, %slice3A_93 : vector<256x768xf32>
    %reshape3A_95 = vector.shape_cast %add3A_94 : vector<256x768xf32> to vector<8x2x16x768xf32>
    %slice3A_96 = vector.extract_strided_slice %reshape3A_95 {offsets = [0, 0, 0, 0], sizes = [8, 1, 16, 768], strides = [1, 1, 1, 1]} : vector<8x2x16x768xf32> to vector<8x1x16x768xf32>
    %squeeze3A_97 = vector.shape_cast %slice3A_96 : vector<8x1x16x768xf32> to vector<8x16x768xf32>
    %slice3A_98 = vector.extract_strided_slice %reshape3A_95 {offsets = [0, 1, 0, 0], sizes = [8, 1, 16, 768], strides = [1, 1, 1, 1]} : vector<8x2x16x768xf32> to vector<8x1x16x768xf32>
    %squeeze3A_99 = vector.shape_cast %slice3A_98 : vector<8x1x16x768xf32> to vector<8x16x768xf32>
    %add3A_100 = arith.addf %squeeze3A_97, %squeeze3A_99 : vector<8x16x768xf32>
    %reshape3A_101 = vector.shape_cast %add3A_100 : vector<8x16x768xf32> to vector<128x768xf32>
    %concatenate3A = tpu.concatenate %reshape3A_10, %reshape3A_23, %reshape3A_36, %reshape3A_49, %reshape3A_62, %reshape3A_75, %reshape3A_88, %reshape3A_101 in 0 : vector<128x768xf32>, vector<128x768xf32>, vector<128x768xf32>, vector<128x768xf32>, vector<128x768xf32>, vector<128x768xf32>, vector<128x768xf32>, vector<128x768xf32> -> vector<1024x768xf32>
    %mul3A = arith.constant 2.500000e-01 : f32
    %mul3A_102 = vector.broadcast %mul3A : f32 to vector<1024x768xf32>
    %mul3A_103 = arith.mulf %concatenate3A, %mul3A_102 : vector<1024x768xf32>
    %convert_element_type3A_104 = arith.truncf %mul3A_103 : vector<1024x768xf32> to vector<1024x768xbf16>
    %dot_general3A = arith.constant dense<0.000000e+00> : vector<1024x64xf32>
    %dot_general3A_105 = tpu.matmul %convert_element_type3A_104, %convert_element_type3A, %dot_general3A {dimension_numbers = #tpu.dot_dimension_numbers<[1], [1], [0], [0], [0, 0, 1, 0], [], []>, transpose_lhs_hint = false} : vector<1024x768xbf16>, vector<64x768xbf16>, vector<1024x64xf32> -> vector<1024x64xf32>
    %swap3A = arith.constant 0 : index
    %swap3A_106 = arith.constant 0 : index
    %swap3A_107 = vector.load %arg12[%swap3A, %swap3A_106] : memref<1024x64xf32, #tpu.memory_space<vmem>>, vector<1024x64xf32>
    tpu.vector_store %arg12[%swap3A, %swap3A_106], %dot_general3A_105 {strides = array<i32>} : memref<1024x64xf32, #tpu.memory_space<vmem>>, vector<1024x64xf32>,
    %iota3A = tpu.iota {dimensions = array<i32: 1>} : vector<1024x64xi32>
    %convert_element_type3A_108 = arith.sitofp %iota3A : vector<1024x64xi32> to vector<1024x64xf32>
    %reduce_max3A = arith.constant dense<0xFF800000> : vector<1024xf32>
    %reduce_max3A_109 = vector.multi_reduction <maximumf>, %dot_general3A_105, %reduce_max3A [1] : vector<1024x64xf32> to vector<1024xf32>
    %broadcast_in_dim3A = vector.shape_cast %reduce_max3A_109 : vector<1024xf32> to vector<1024x1xf32>
    %ge3A = vector.broadcast %broadcast_in_dim3A : vector<1024x1xf32> to vector<1024x64xf32>
    %ge3A_110 = arith.cmpf oge, %dot_general3A_105, %ge3A : vector<1024x64xf32>
    %jit3A = arith.constant 6.400000e+01 : f32
    %broadcast_in_dim3A_111 = vector.broadcast %jit3A : f32 to vector<1024x64xf32>
    %select_n3A = arith.select %ge3A_110, %convert_element_type3A_108, %broadcast_in_dim3A_111 : vector<1024x64xi1>, vector<1024x64xf32>
    %reduce_min3A = arith.constant dense<0x7F800000> : vector<1024xf32>
    %reduce_min3A_112 = vector.multi_reduction <minimumf>, %select_n3A, %reduce_min3A [1] : vector<1024x64xf32> to vector<1024xf32>
    %broadcast_in_dim3A_113 = vector.shape_cast %reduce_min3A_112 : vector<1024xf32> to vector<1024x1xf32>
    %eq3A = vector.broadcast %broadcast_in_dim3A_113 : vector<1024x1xf32> to vector<1024x64xf32>
    %eq3A_114 = arith.cmpf oeq, %convert_element_type3A_108, %eq3A : vector<1024x64xf32>
    %jit3A_115 = arith.constant 0xFF800000 : f32
    %broadcast_in_dim3A_116 = vector.broadcast %jit3A_115 : f32 to vector<1024x64xf32>
    %select_n3A_117 = arith.select %eq3A_114, %broadcast_in_dim3A_116, %dot_general3A_105 : vector<1024x64xi1>, vector<1024x64xf32>
    %reduce_max3A_118 = arith.constant dense<0xFF800000> : vector<1024xf32>
    %reduce_max3A_119 = vector.multi_reduction <maximumf>, %select_n3A_117, %reduce_max3A_118 [1] : vector<1024x64xf32> to vector<1024xf32>
    %broadcast_in_dim3A_120 = vector.shape_cast %reduce_max3A_119 : vector<1024xf32> to vector<1024x1xf32>
    %ge3A_121 = vector.broadcast %broadcast_in_dim3A_120 : vector<1024x1xf32> to vector<1024x64xf32>
    %ge3A_122 = arith.cmpf oge, %select_n3A_117, %ge3A_121 : vector<1024x64xf32>
    %jit3A_123 = arith.constant 6.400000e+01 : f32
    %broadcast_in_dim3A_124 = vector.broadcast %jit3A_123 : f32 to vector<1024x64xf32>
    %select_n3A_125 = arith.select %ge3A_122, %convert_element_type3A_108, %broadcast_in_dim3A_124 : vector<1024x64xi1>, vector<1024x64xf32>
    %reduce_min3A_126 = arith.constant dense<0x7F800000> : vector<1024xf32>
    %reduce_min3A_127 = vector.multi_reduction <minimumf>, %select_n3A_125, %reduce_min3A_126 [1] : vector<1024x64xf32> to vector<1024xf32>
    %broadcast_in_dim3A_128 = vector.shape_cast %reduce_min3A_127 : vector<1024xf32> to vector<1024x1xf32>
    %eq3A_129 = vector.broadcast %broadcast_in_dim3A_128 : vector<1024x1xf32> to vector<1024x64xf32>
    %eq3A_130 = arith.cmpf oeq, %convert_element_type3A_108, %eq3A_129 : vector<1024x64xf32>
    %jit3A_131 = arith.constant 0xFF800000 : f32
    %broadcast_in_dim3A_132 = vector.broadcast %jit3A_131 : f32 to vector<1024x64xf32>
    %select_n3A_133 = arith.select %eq3A_130, %broadcast_in_dim3A_132, %select_n3A_117 : vector<1024x64xi1>, vector<1024x64xf32>
    %reduce_max3A_134 = arith.constant dense<0xFF800000> : vector<1024xf32>
    %reduce_max3A_135 = vector.multi_reduction <maximumf>, %select_n3A_133, %reduce_max3A_134 [1] : vector<1024x64xf32> to vector<1024xf32>
    %broadcast_in_dim3A_136 = vector.shape_cast %reduce_max3A_135 : vector<1024xf32> to vector<1024x1xf32>
    %ge3A_137 = vector.broadcast %broadcast_in_dim3A_136 : vector<1024x1xf32> to vector<1024x64xf32>
    %ge3A_138 = arith.cmpf oge, %select_n3A_133, %ge3A_137 : vector<1024x64xf32>
    %jit3A_139 = arith.constant 6.400000e+01 : f32
    %broadcast_in_dim3A_140 = vector.broadcast %jit3A_139 : f32 to vector<1024x64xf32>
    %select_n3A_141 = arith.select %ge3A_138, %convert_element_type3A_108, %broadcast_in_dim3A_140 : vector<1024x64xi1>, vector<1024x64xf32>
    %reduce_min3A_142 = arith.constant dense<0x7F800000> : vector<1024xf32>
    %reduce_min3A_143 = vector.multi_reduction <minimumf>, %select_n3A_141, %reduce_min3A_142 [1] : vector<1024x64xf32> to vector<1024xf32>
    %broadcast_in_dim3A_144 = vector.shape_cast %reduce_min3A_143 : vector<1024xf32> to vector<1024x1xf32>
    %eq3A_145 = vector.broadcast %broadcast_in_dim3A_144 : vector<1024x1xf32> to vector<1024x64xf32>
    %eq3A_146 = arith.cmpf oeq, %convert_element_type3A_108, %eq3A_145 : vector<1024x64xf32>
    %jit3A_147 = arith.constant 0xFF800000 : f32
    %broadcast_in_dim3A_148 = vector.broadcast %jit3A_147 : f32 to vector<1024x64xf32>
    %select_n3A_149 = arith.select %eq3A_146, %broadcast_in_dim3A_148, %select_n3A_133 : vector<1024x64xi1>, vector<1024x64xf32>
    %reduce_max3A_150 = arith.constant dense<0xFF800000> : vector<1024xf32>
    %reduce_max3A_151 = vector.multi_reduction <maximumf>, %select_n3A_149, %reduce_max3A_150 [1] : vector<1024x64xf32> to vector<1024xf32>
    %broadcast_in_dim3A_152 = vector.shape_cast %reduce_max3A_151 : vector<1024xf32> to vector<1024x1xf32>
    %ge3A_153 = vector.broadcast %broadcast_in_dim3A_152 : vector<1024x1xf32> to vector<1024x64xf32>
    %ge3A_154 = arith.cmpf oge, %select_n3A_149, %ge3A_153 : vector<1024x64xf32>
    %jit3A_155 = arith.constant 6.400000e+01 : f32
    %broadcast_in_dim3A_156 = vector.broadcast %jit3A_155 : f32 to vector<1024x64xf32>
    %select_n3A_157 = arith.select %ge3A_154, %convert_element_type3A_108, %broadcast_in_dim3A_156 : vector<1024x64xi1>, vector<1024x64xf32>
    %reduce_min3A_158 = arith.constant dense<0x7F800000> : vector<1024xf32>
    %reduce_min3A_159 = vector.multi_reduction <minimumf>, %select_n3A_157, %reduce_min3A_158 [1] : vector<1024x64xf32> to vector<1024xf32>
    %broadcast_in_dim3A_160 = vector.shape_cast %reduce_min3A_159 : vector<1024xf32> to vector<1024x1xf32>
    %eq3A_161 = vector.broadcast %broadcast_in_dim3A_160 : vector<1024x1xf32> to vector<1024x64xf32>
    %eq3A_162 = arith.cmpf oeq, %convert_element_type3A_108, %eq3A_161 : vector<1024x64xf32>
    %jit3A_163 = arith.constant 0xFF800000 : f32
    %broadcast_in_dim3A_164 = vector.broadcast %jit3A_163 : f32 to vector<1024x64xf32>
    %select_n3A_165 = arith.select %eq3A_162, %broadcast_in_dim3A_164, %select_n3A_149 : vector<1024x64xi1>, vector<1024x64xf32>
    %reduce_max3A_166 = arith.constant dense<0xFF800000> : vector<1024xf32>
    %reduce_max3A_167 = vector.multi_reduction <maximumf>, %select_n3A_165, %reduce_max3A_166 [1] : vector<1024x64xf32> to vector<1024xf32>
    %broadcast_in_dim3A_168 = vector.shape_cast %reduce_max3A_167 : vector<1024xf32> to vector<1024x1xf32>
    %ge3A_169 = vector.broadcast %broadcast_in_dim3A_168 : vector<1024x1xf32> to vector<1024x64xf32>
    %ge3A_170 = arith.cmpf oge, %select_n3A_165, %ge3A_169 : vector<1024x64xf32>
    %jit3A_171 = arith.constant 6.400000e+01 : f32
    %broadcast_in_dim3A_172 = vector.broadcast %jit3A_171 : f32 to vector<1024x64xf32>
    %select_n3A_173 = arith.select %ge3A_170, %convert_element_type3A_108, %broadcast_in_dim3A_172 : vector<1024x64xi1>, vector<1024x64xf32>
    %reduce_min3A_174 = arith.constant dense<0x7F800000> : vector<1024xf32>
    %reduce_min3A_175 = vector.multi_reduction <minimumf>, %select_n3A_173, %reduce_min3A_174 [1] : vector<1024x64xf32> to vector<1024xf32>
    %broadcast_in_dim3A_176 = vector.shape_cast %reduce_min3A_175 : vector<1024xf32> to vector<1024x1xf32>
    %eq3A_177 = vector.broadcast %broadcast_in_dim3A_176 : vector<1024x1xf32> to vector<1024x64xf32>
    %eq3A_178 = arith.cmpf oeq, %convert_element_type3A_108, %eq3A_177 : vector<1024x64xf32>
    %jit3A_179 = arith.constant 0xFF800000 : f32
    %broadcast_in_dim3A_180 = vector.broadcast %jit3A_179 : f32 to vector<1024x64xf32>
    %select_n3A_181 = arith.select %eq3A_178, %broadcast_in_dim3A_180, %select_n3A_165 : vector<1024x64xi1>, vector<1024x64xf32>
    %reduce_max3A_182 = arith.constant dense<0xFF800000> : vector<1024xf32>
    %reduce_max3A_183 = vector.multi_reduction <maximumf>, %select_n3A_181, %reduce_max3A_182 [1] : vector<1024x64xf32> to vector<1024xf32>
    %broadcast_in_dim3A_184 = vector.shape_cast %reduce_max3A_183 : vector<1024xf32> to vector<1024x1xf32>
    %ge3A_185 = vector.broadcast %broadcast_in_dim3A_184 : vector<1024x1xf32> to vector<1024x64xf32>
    %ge3A_186 = arith.cmpf oge, %select_n3A_181, %ge3A_185 : vector<1024x64xf32>
    %jit3A_187 = arith.constant 6.400000e+01 : f32
    %broadcast_in_dim3A_188 = vector.broadcast %jit3A_187 : f32 to vector<1024x64xf32>
    %select_n3A_189 = arith.select %ge3A_186, %convert_element_type3A_108, %broadcast_in_dim3A_188 : vector<1024x64xi1>, vector<1024x64xf32>
    %reduce_min3A_190 = arith.constant dense<0x7F800000> : vector<1024xf32>
    %reduce_min3A_191 = vector.multi_reduction <minimumf>, %select_n3A_189, %reduce_min3A_190 [1] : vector<1024x64xf32> to vector<1024xf32>
    %broadcast_in_dim3A_192 = vector.shape_cast %reduce_min3A_191 : vector<1024xf32> to vector<1024x1xf32>
    %eq3A_193 = vector.broadcast %broadcast_in_dim3A_192 : vector<1024x1xf32> to vector<1024x64xf32>
    %eq3A_194 = arith.cmpf oeq, %convert_element_type3A_108, %eq3A_193 : vector<1024x64xf32>
    %jit3A_195 = arith.constant 0xFF800000 : f32
    %broadcast_in_dim3A_196 = vector.broadcast %jit3A_195 : f32 to vector<1024x64xf32>
    %select_n3A_197 = arith.select %eq3A_194, %broadcast_in_dim3A_196, %select_n3A_181 : vector<1024x64xi1>, vector<1024x64xf32>
    %reduce_max3A_198 = arith.constant dense<0xFF800000> : vector<1024xf32>
    %reduce_max3A_199 = vector.multi_reduction <maximumf>, %select_n3A_197, %reduce_max3A_198 [1] : vector<1024x64xf32> to vector<1024xf32>
    %broadcast_in_dim3A_200 = vector.shape_cast %reduce_max3A_199 : vector<1024xf32> to vector<1024x1xf32>
    %ge3A_201 = vector.broadcast %broadcast_in_dim3A_200 : vector<1024x1xf32> to vector<1024x64xf32>
    %ge3A_202 = arith.cmpf oge, %select_n3A_197, %ge3A_201 : vector<1024x64xf32>
    %jit3A_203 = arith.constant 6.400000e+01 : f32
    %broadcast_in_dim3A_204 = vector.broadcast %jit3A_203 : f32 to vector<1024x64xf32>
    %select_n3A_205 = arith.select %ge3A_202, %convert_element_type3A_108, %broadcast_in_dim3A_204 : vector<1024x64xi1>, vector<1024x64xf32>
    %reduce_min3A_206 = arith.constant dense<0x7F800000> : vector<1024xf32>
    %reduce_min3A_207 = vector.multi_reduction <minimumf>, %select_n3A_205, %reduce_min3A_206 [1] : vector<1024x64xf32> to vector<1024xf32>
    %broadcast_in_dim3A_208 = vector.shape_cast %reduce_min3A_207 : vector<1024xf32> to vector<1024x1xf32>
    %eq3A_209 = vector.broadcast %broadcast_in_dim3A_208 : vector<1024x1xf32> to vector<1024x64xf32>
    %eq3A_210 = arith.cmpf oeq, %convert_element_type3A_108, %eq3A_209 : vector<1024x64xf32>
    %jit3A_211 = arith.constant 0xFF800000 : f32
    %broadcast_in_dim3A_212 = vector.broadcast %jit3A_211 : f32 to vector<1024x64xf32>
    %select_n3A_213 = arith.select %eq3A_210, %broadcast_in_dim3A_212, %select_n3A_197 : vector<1024x64xi1>, vector<1024x64xf32>
    %reduce_max3A_214 = arith.constant dense<0xFF800000> : vector<1024xf32>
    %reduce_max3A_215 = vector.multi_reduction <maximumf>, %select_n3A_213, %reduce_max3A_214 [1] : vector<1024x64xf32> to vector<1024xf32>
    %broadcast_in_dim3A_216 = vector.shape_cast %reduce_max3A_215 : vector<1024xf32> to vector<1024x1xf32>
    %ge3A_217 = vector.broadcast %broadcast_in_dim3A_216 : vector<1024x1xf32> to vector<1024x64xf32>
    %ge3A_218 = arith.cmpf oge, %select_n3A_213, %ge3A_217 : vector<1024x64xf32>
    %jit3A_219 = arith.constant 6.400000e+01 : f32
    %broadcast_in_dim3A_220 = vector.broadcast %jit3A_219 : f32 to vector<1024x64xf32>
    %select_n3A_221 = arith.select %ge3A_218, %convert_element_type3A_108, %broadcast_in_dim3A_220 : vector<1024x64xi1>, vector<1024x64xf32>
    %reduce_min3A_222 = arith.constant dense<0x7F800000> : vector<1024xf32>
    %reduce_min3A_223 = vector.multi_reduction <minimumf>, %select_n3A_221, %reduce_min3A_222 [1] : vector<1024x64xf32> to vector<1024xf32>
    %broadcast_in_dim3A_224 = vector.shape_cast %reduce_min3A_223 : vector<1024xf32> to vector<1024x1xf32>
    %concatenate3A_225 = tpu.concatenate %broadcast_in_dim3A, %broadcast_in_dim3A_120, %broadcast_in_dim3A_136, %broadcast_in_dim3A_152, %broadcast_in_dim3A_168, %broadcast_in_dim3A_184, %broadcast_in_dim3A_200, %broadcast_in_dim3A_216 in 1 : vector<1024x1xf32>, vector<1024x1xf32>, vector<1024x1xf32>, vector<1024x1xf32>, vector<1024x1xf32>, vector<1024x1xf32>, vector<1024x1xf32>, vector<1024x1xf32> -> vector<1024x8xf32>
    %concatenate3A_226 = tpu.concatenate %broadcast_in_dim3A_113, %broadcast_in_dim3A_128, %broadcast_in_dim3A_144, %broadcast_in_dim3A_160, %broadcast_in_dim3A_176, %broadcast_in_dim3A_192, %broadcast_in_dim3A_208, %broadcast_in_dim3A_224 in 1 : vector<1024x1xf32>, vector<1024x1xf32>, vector<1024x1xf32>, vector<1024x1xf32>, vector<1024x1xf32>, vector<1024x1xf32>, vector<1024x1xf32>, vector<1024x1xf32> -> vector<1024x8xf32>
    %slice3A_227 = vector.extract_strided_slice %concatenate3A_225 {offsets = [0, 0], sizes = [1024, 1], strides = [1, 1]} : vector<1024x8xf32> to vector<1024x1xf32>
    %sub3A = vector.broadcast %slice3A_227 : vector<1024x1xf32> to vector<1024x8xf32>
    %sub3A_228 = arith.subf %concatenate3A_225, %sub3A : vector<1024x8xf32>
    %exp3A = math.exp %sub3A_228 : vector<1024x8xf32>
    %reduce_sum3A = arith.constant dense<0.000000e+00> : vector<1024xf32>
    %reduce_sum3A_229 = vector.multi_reduction <add>, %exp3A, %reduce_sum3A [1] : vector<1024x8xf32> to vector<1024xf32>
    %broadcast_in_dim3A_230 = vector.shape_cast %reduce_sum3A_229 : vector<1024xf32> to vector<1024x1xf32>
    %div3A = vector.broadcast %broadcast_in_dim3A_230 : vector<1024x1xf32> to vector<1024x8xf32>
    %div3A_231 = arith.divf %exp3A, %div3A : vector<1024x8xf32>
    %swap3A_232 = arith.constant 0 : index
    %swap3A_233 = arith.constant 0 : index
    %swap3A_234 = vector.load %arg10[%swap3A_232, %swap3A_233] : memref<1024x8xf32, #tpu.memory_space<vmem>>, vector<1024x8xf32>
    tpu.vector_store %arg10[%swap3A_232, %swap3A_233], %div3A_231 {strides = array<i32>} : memref<1024x8xf32, #tpu.memory_space<vmem>>, vector<1024x8xf32>,
    %convert_element_type3A_235 = arith.fptosi %concatenate3A_226 : vector<1024x8xf32> to vector<1024x8xi32>
    %swap3A_236 = arith.constant 0 : index
    %swap3A_237 = arith.constant 0 : index
    %swap3A_238 = vector.load %arg11[%swap3A_236, %swap3A_237] : memref<1024x8xi32, #tpu.memory_space<vmem>>, vector<1024x8xi32>
    tpu.vector_store %arg11[%swap3A_236, %swap3A_237], %convert_element_type3A_235 {strides = array<i32>} : memref<1024x8xi32, #tpu.memory_space<vmem>>, vector<1024x8xi32>,
    return
  }
  func.func @transform_0(%arg0: i32) -> (i32, i32) {
    %mul3A = arith.constant 8 : i32
    %mul3A_0 = arith.muli %mul3A, %arg0 : i32
    %add3A = arith.constant 0 : i32
    %add3A_1 = arith.addi %mul3A_0, %add3A : i32
    %c0_i32 = arith.constant 0 : i32
    %c0_i32_2 = arith.constant 0 : i32
    return %add3A_1, %c0_i32 : i32, i32
  }
  func.func @transform_1(%arg0: i32) -> (i32, i32) {
    %mul3A = arith.constant 8 : i32
    %mul3A_0 = arith.muli %mul3A, %arg0 : i32
    %add3A = arith.constant 1 : i32
    %add3A_1 = arith.addi %mul3A_0, %add3A : i32
    %c0_i32 = arith.constant 0 : i32
    %c0_i32_2 = arith.constant 0 : i32
    return %add3A_1, %c0_i32 : i32, i32
  }
  func.func @transform_2(%arg0: i32) -> (i32, i32) {
    %mul3A = arith.constant 8 : i32
    %mul3A_0 = arith.muli %mul3A, %arg0 : i32
    %add3A = arith.constant 2 : i32
    %add3A_1 = arith.addi %mul3A_0, %add3A : i32
    %c0_i32 = arith.constant 0 : i32
    %c0_i32_2 = arith.constant 0 : i32
    return %add3A_1, %c0_i32 : i32, i32
  }
  func.func @transform_3(%arg0: i32) -> (i32, i32) {
    %mul3A = arith.constant 8 : i32
    %mul3A_0 = arith.muli %mul3A, %arg0 : i32
    %add3A = arith.constant 3 : i32
    %add3A_1 = arith.addi %mul3A_0, %add3A : i32
    %c0_i32 = arith.constant 0 : i32
    %c0_i32_2 = arith.constant 0 : i32
    return %add3A_1, %c0_i32 : i32, i32
  }
  func.func @transform_4(%arg0: i32) -> (i32, i32) {
    %mul3A = arith.constant 8 : i32
    %mul3A_0 = arith.muli %mul3A, %arg0 : i32
    %add3A = arith.constant 4 : i32
    %add3A_1 = arith.addi %mul3A_0, %add3A : i32
    %c0_i32 = arith.constant 0 : i32
    %c0_i32_2 = arith.constant 0 : i32
    return %add3A_1, %c0_i32 : i32, i32
  }
  func.func @transform_5(%arg0: i32) -> (i32, i32) {
    %mul3A = arith.constant 8 : i32
    %mul3A_0 = arith.muli %mul3A, %arg0 : i32
    %add3A = arith.constant 5 : i32
    %add3A_1 = arith.addi %mul3A_0, %add3A : i32
    %c0_i32 = arith.constant 0 : i32
    %c0_i32_2 = arith.constant 0 : i32
    return %add3A_1, %c0_i32 : i32, i32
  }
  func.func @transform_6(%arg0: i32) -> (i32, i32) {
    %mul3A = arith.constant 8 : i32
    %mul3A_0 = arith.muli %mul3A, %arg0 : i32
    %add3A = arith.constant 6 : i32
    %add3A_1 = arith.addi %mul3A_0, %add3A : i32
    %c0_i32 = arith.constant 0 : i32
    %c0_i32_2 = arith.constant 0 : i32
    return %add3A_1, %c0_i32 : i32, i32
  }
  func.func @transform_7(%arg0: i32) -> (i32, i32) {
    %mul3A = arith.constant 8 : i32
    %mul3A_0 = arith.muli %mul3A, %arg0 : i32
    %add3A = arith.constant 7 : i32
    %add3A_1 = arith.addi %mul3A_0, %add3A : i32
    %c0_i32 = arith.constant 0 : i32
    %c0_i32_2 = arith.constant 0 : i32
    return %add3A_1, %c0_i32 : i32, i32
  }
  func.func @transform_8(%arg0: i32) -> (i32, i32) {
    %c0_i32 = arith.constant 0 : i32
    %c0_i32_0 = arith.constant 0 : i32
    %c0_i32_1 = arith.constant 0 : i32
    return %c0_i32, %c0_i32_0 : i32, i32
  }
  func.func @transform_9(%arg0: i32) -> (i32, i32) {
    %c0_i32 = arith.constant 0 : i32
    %c0_i32_0 = arith.constant 0 : i32
    return %arg0, %c0_i32 : i32, i32
  }
  func.func @transform_10(%arg0: i32) -> (i32, i32) {
    %c0_i32 = arith.constant 0 : i32
    %c0_i32_0 = arith.constant 0 : i32
    return %arg0, %c0_i32 : i32, i32
  }
  func.func @transform_11(%arg0: i32) -> (i32, i32) {
    %c0_i32 = arith.constant 0 : i32
    %c0_i32_0 = arith.constant 0 : i32
    return %arg0, %c0_i32 : i32, i32
  }
}

module attributes {stable_mosaic.version = 14 : i64} {
  func.func @_tc_tail_kernel(%arg0: i32, %arg1: memref<2048x768xf32, #tpu.memory_space<vmem>>, %arg2: memref<64x768xf32, #tpu.memory_space<vmem>>, %arg3: memref<8x64xf32, #tpu.memory_space<vmem>>, %arg4: memref<2048x8xf32, #tpu.memory_space<vmem>>, %arg5: memref<2048x8xi32, #tpu.memory_space<vmem>>, %arg6: memref<2048x64xf32, #tpu.memory_space<vmem>>) attributes {dimension_semantics = [#tpu.dimension_semantics<arbitrary>], iteration_bounds = array<i64: 1>, scalar_prefetch = 0 : i64, scratch_operands = 0 : i64, tpu.core_type = #tpu.core_type<tc>, window_params = [{pipeline_mode = #tpu.pipeline_mode<synchronous>, transform_indices = @transform_0, window_bounds = array<i64: 2048, 768>}, {pipeline_mode = #tpu.pipeline_mode<synchronous>, transform_indices = @transform_1, window_bounds = array<i64: 64, 768>}, {transform_indices = @transform_2, window_bounds = array<i64: 8, 64>}, {pipeline_mode = #tpu.pipeline_mode<synchronous>, transform_indices = @transform_3, window_bounds = array<i64: 2048, 8>}, {pipeline_mode = #tpu.pipeline_mode<synchronous>, transform_indices = @transform_4, window_bounds = array<i64: 2048, 8>}, {pipeline_mode = #tpu.pipeline_mode<synchronous>, transform_indices = @transform_5, window_bounds = array<i64: 2048, 64>}]} {
    %get3A = arith.constant 0 : index
    %get3A_0 = arith.constant 0 : index
    %get3A_1 = vector.load %arg1[%get3A, %get3A_0] : memref<2048x768xf32, #tpu.memory_space<vmem>>, vector<2048x768xf32>
    %get3A_2 = arith.constant 0 : index
    %get3A_3 = arith.constant 0 : index
    %get3A_4 = vector.load %arg2[%get3A_2, %get3A_3] : memref<64x768xf32, #tpu.memory_space<vmem>>, vector<64x768xf32>
    %convert_element_type3A = arith.truncf %get3A_4 : vector<64x768xf32> to vector<64x768xbf16>
    %convert_element_type3A_5 = arith.truncf %get3A_1 : vector<2048x768xf32> to vector<2048x768xbf16>
    %dot_general3A = arith.constant dense<0.000000e+00> : vector<2048x64xf32>
    %dot_general3A_6 = tpu.matmul %convert_element_type3A_5, %convert_element_type3A, %dot_general3A {dimension_numbers = #tpu.dot_dimension_numbers<[1], [1], [0], [0], [0, 0, 1, 0], [], []>, transpose_lhs_hint = false} : vector<2048x768xbf16>, vector<64x768xbf16>, vector<2048x64xf32> -> vector<2048x64xf32>
    %swap3A = arith.constant 0 : index
    %swap3A_7 = arith.constant 0 : index
    %swap3A_8 = vector.load %arg6[%swap3A, %swap3A_7] : memref<2048x64xf32, #tpu.memory_space<vmem>>, vector<2048x64xf32>
    tpu.vector_store %arg6[%swap3A, %swap3A_7], %dot_general3A_6 {strides = array<i32>} : memref<2048x64xf32, #tpu.memory_space<vmem>>, vector<2048x64xf32>,
    %iota3A = tpu.iota {dimensions = array<i32: 1>} : vector<2048x64xi32>
    %convert_element_type3A_9 = arith.sitofp %iota3A : vector<2048x64xi32> to vector<2048x64xf32>
    %reduce_max3A = arith.constant dense<0xFF800000> : vector<2048xf32>
    %reduce_max3A_10 = vector.multi_reduction <maximumf>, %dot_general3A_6, %reduce_max3A [1] : vector<2048x64xf32> to vector<2048xf32>
    %broadcast_in_dim3A = vector.shape_cast %reduce_max3A_10 : vector<2048xf32> to vector<2048x1xf32>
    %ge3A = vector.broadcast %broadcast_in_dim3A : vector<2048x1xf32> to vector<2048x64xf32>
    %ge3A_11 = arith.cmpf oge, %dot_general3A_6, %ge3A : vector<2048x64xf32>
    %jit3A = arith.constant 6.400000e+01 : f32
    %broadcast_in_dim3A_12 = vector.broadcast %jit3A : f32 to vector<2048x64xf32>
    %select_n3A = arith.select %ge3A_11, %convert_element_type3A_9, %broadcast_in_dim3A_12 : vector<2048x64xi1>, vector<2048x64xf32>
    %reduce_min3A = arith.constant dense<0x7F800000> : vector<2048xf32>
    %reduce_min3A_13 = vector.multi_reduction <minimumf>, %select_n3A, %reduce_min3A [1] : vector<2048x64xf32> to vector<2048xf32>
    %broadcast_in_dim3A_14 = vector.shape_cast %reduce_min3A_13 : vector<2048xf32> to vector<2048x1xf32>
    %eq3A = vector.broadcast %broadcast_in_dim3A_14 : vector<2048x1xf32> to vector<2048x64xf32>
    %eq3A_15 = arith.cmpf oeq, %convert_element_type3A_9, %eq3A : vector<2048x64xf32>
    %jit3A_16 = arith.constant 0xFF800000 : f32
    %broadcast_in_dim3A_17 = vector.broadcast %jit3A_16 : f32 to vector<2048x64xf32>
    %select_n3A_18 = arith.select %eq3A_15, %broadcast_in_dim3A_17, %dot_general3A_6 : vector<2048x64xi1>, vector<2048x64xf32>
    %reduce_max3A_19 = arith.constant dense<0xFF800000> : vector<2048xf32>
    %reduce_max3A_20 = vector.multi_reduction <maximumf>, %select_n3A_18, %reduce_max3A_19 [1] : vector<2048x64xf32> to vector<2048xf32>
    %broadcast_in_dim3A_21 = vector.shape_cast %reduce_max3A_20 : vector<2048xf32> to vector<2048x1xf32>
    %ge3A_22 = vector.broadcast %broadcast_in_dim3A_21 : vector<2048x1xf32> to vector<2048x64xf32>
    %ge3A_23 = arith.cmpf oge, %select_n3A_18, %ge3A_22 : vector<2048x64xf32>
    %jit3A_24 = arith.constant 6.400000e+01 : f32
    %broadcast_in_dim3A_25 = vector.broadcast %jit3A_24 : f32 to vector<2048x64xf32>
    %select_n3A_26 = arith.select %ge3A_23, %convert_element_type3A_9, %broadcast_in_dim3A_25 : vector<2048x64xi1>, vector<2048x64xf32>
    %reduce_min3A_27 = arith.constant dense<0x7F800000> : vector<2048xf32>
    %reduce_min3A_28 = vector.multi_reduction <minimumf>, %select_n3A_26, %reduce_min3A_27 [1] : vector<2048x64xf32> to vector<2048xf32>
    %broadcast_in_dim3A_29 = vector.shape_cast %reduce_min3A_28 : vector<2048xf32> to vector<2048x1xf32>
    %eq3A_30 = vector.broadcast %broadcast_in_dim3A_29 : vector<2048x1xf32> to vector<2048x64xf32>
    %eq3A_31 = arith.cmpf oeq, %convert_element_type3A_9, %eq3A_30 : vector<2048x64xf32>
    %jit3A_32 = arith.constant 0xFF800000 : f32
    %broadcast_in_dim3A_33 = vector.broadcast %jit3A_32 : f32 to vector<2048x64xf32>
    %select_n3A_34 = arith.select %eq3A_31, %broadcast_in_dim3A_33, %select_n3A_18 : vector<2048x64xi1>, vector<2048x64xf32>
    %reduce_max3A_35 = arith.constant dense<0xFF800000> : vector<2048xf32>
    %reduce_max3A_36 = vector.multi_reduction <maximumf>, %select_n3A_34, %reduce_max3A_35 [1] : vector<2048x64xf32> to vector<2048xf32>
    %broadcast_in_dim3A_37 = vector.shape_cast %reduce_max3A_36 : vector<2048xf32> to vector<2048x1xf32>
    %ge3A_38 = vector.broadcast %broadcast_in_dim3A_37 : vector<2048x1xf32> to vector<2048x64xf32>
    %ge3A_39 = arith.cmpf oge, %select_n3A_34, %ge3A_38 : vector<2048x64xf32>
    %jit3A_40 = arith.constant 6.400000e+01 : f32
    %broadcast_in_dim3A_41 = vector.broadcast %jit3A_40 : f32 to vector<2048x64xf32>
    %select_n3A_42 = arith.select %ge3A_39, %convert_element_type3A_9, %broadcast_in_dim3A_41 : vector<2048x64xi1>, vector<2048x64xf32>
    %reduce_min3A_43 = arith.constant dense<0x7F800000> : vector<2048xf32>
    %reduce_min3A_44 = vector.multi_reduction <minimumf>, %select_n3A_42, %reduce_min3A_43 [1] : vector<2048x64xf32> to vector<2048xf32>
    %broadcast_in_dim3A_45 = vector.shape_cast %reduce_min3A_44 : vector<2048xf32> to vector<2048x1xf32>
    %eq3A_46 = vector.broadcast %broadcast_in_dim3A_45 : vector<2048x1xf32> to vector<2048x64xf32>
    %eq3A_47 = arith.cmpf oeq, %convert_element_type3A_9, %eq3A_46 : vector<2048x64xf32>
    %jit3A_48 = arith.constant 0xFF800000 : f32
    %broadcast_in_dim3A_49 = vector.broadcast %jit3A_48 : f32 to vector<2048x64xf32>
    %select_n3A_50 = arith.select %eq3A_47, %broadcast_in_dim3A_49, %select_n3A_34 : vector<2048x64xi1>, vector<2048x64xf32>
    %reduce_max3A_51 = arith.constant dense<0xFF800000> : vector<2048xf32>
    %reduce_max3A_52 = vector.multi_reduction <maximumf>, %select_n3A_50, %reduce_max3A_51 [1] : vector<2048x64xf32> to vector<2048xf32>
    %broadcast_in_dim3A_53 = vector.shape_cast %reduce_max3A_52 : vector<2048xf32> to vector<2048x1xf32>
    %ge3A_54 = vector.broadcast %broadcast_in_dim3A_53 : vector<2048x1xf32> to vector<2048x64xf32>
    %ge3A_55 = arith.cmpf oge, %select_n3A_50, %ge3A_54 : vector<2048x64xf32>
    %jit3A_56 = arith.constant 6.400000e+01 : f32
    %broadcast_in_dim3A_57 = vector.broadcast %jit3A_56 : f32 to vector<2048x64xf32>
    %select_n3A_58 = arith.select %ge3A_55, %convert_element_type3A_9, %broadcast_in_dim3A_57 : vector<2048x64xi1>, vector<2048x64xf32>
    %reduce_min3A_59 = arith.constant dense<0x7F800000> : vector<2048xf32>
    %reduce_min3A_60 = vector.multi_reduction <minimumf>, %select_n3A_58, %reduce_min3A_59 [1] : vector<2048x64xf32> to vector<2048xf32>
    %broadcast_in_dim3A_61 = vector.shape_cast %reduce_min3A_60 : vector<2048xf32> to vector<2048x1xf32>
    %eq3A_62 = vector.broadcast %broadcast_in_dim3A_61 : vector<2048x1xf32> to vector<2048x64xf32>
    %eq3A_63 = arith.cmpf oeq, %convert_element_type3A_9, %eq3A_62 : vector<2048x64xf32>
    %jit3A_64 = arith.constant 0xFF800000 : f32
    %broadcast_in_dim3A_65 = vector.broadcast %jit3A_64 : f32 to vector<2048x64xf32>
    %select_n3A_66 = arith.select %eq3A_63, %broadcast_in_dim3A_65, %select_n3A_50 : vector<2048x64xi1>, vector<2048x64xf32>
    %reduce_max3A_67 = arith.constant dense<0xFF800000> : vector<2048xf32>
    %reduce_max3A_68 = vector.multi_reduction <maximumf>, %select_n3A_66, %reduce_max3A_67 [1] : vector<2048x64xf32> to vector<2048xf32>
    %broadcast_in_dim3A_69 = vector.shape_cast %reduce_max3A_68 : vector<2048xf32> to vector<2048x1xf32>
    %ge3A_70 = vector.broadcast %broadcast_in_dim3A_69 : vector<2048x1xf32> to vector<2048x64xf32>
    %ge3A_71 = arith.cmpf oge, %select_n3A_66, %ge3A_70 : vector<2048x64xf32>
    %jit3A_72 = arith.constant 6.400000e+01 : f32
    %broadcast_in_dim3A_73 = vector.broadcast %jit3A_72 : f32 to vector<2048x64xf32>
    %select_n3A_74 = arith.select %ge3A_71, %convert_element_type3A_9, %broadcast_in_dim3A_73 : vector<2048x64xi1>, vector<2048x64xf32>
    %reduce_min3A_75 = arith.constant dense<0x7F800000> : vector<2048xf32>
    %reduce_min3A_76 = vector.multi_reduction <minimumf>, %select_n3A_74, %reduce_min3A_75 [1] : vector<2048x64xf32> to vector<2048xf32>
    %broadcast_in_dim3A_77 = vector.shape_cast %reduce_min3A_76 : vector<2048xf32> to vector<2048x1xf32>
    %eq3A_78 = vector.broadcast %broadcast_in_dim3A_77 : vector<2048x1xf32> to vector<2048x64xf32>
    %eq3A_79 = arith.cmpf oeq, %convert_element_type3A_9, %eq3A_78 : vector<2048x64xf32>
    %jit3A_80 = arith.constant 0xFF800000 : f32
    %broadcast_in_dim3A_81 = vector.broadcast %jit3A_80 : f32 to vector<2048x64xf32>
    %select_n3A_82 = arith.select %eq3A_79, %broadcast_in_dim3A_81, %select_n3A_66 : vector<2048x64xi1>, vector<2048x64xf32>
    %reduce_max3A_83 = arith.constant dense<0xFF800000> : vector<2048xf32>
    %reduce_max3A_84 = vector.multi_reduction <maximumf>, %select_n3A_82, %reduce_max3A_83 [1] : vector<2048x64xf32> to vector<2048xf32>
    %broadcast_in_dim3A_85 = vector.shape_cast %reduce_max3A_84 : vector<2048xf32> to vector<2048x1xf32>
    %ge3A_86 = vector.broadcast %broadcast_in_dim3A_85 : vector<2048x1xf32> to vector<2048x64xf32>
    %ge3A_87 = arith.cmpf oge, %select_n3A_82, %ge3A_86 : vector<2048x64xf32>
    %jit3A_88 = arith.constant 6.400000e+01 : f32
    %broadcast_in_dim3A_89 = vector.broadcast %jit3A_88 : f32 to vector<2048x64xf32>
    %select_n3A_90 = arith.select %ge3A_87, %convert_element_type3A_9, %broadcast_in_dim3A_89 : vector<2048x64xi1>, vector<2048x64xf32>
    %reduce_min3A_91 = arith.constant dense<0x7F800000> : vector<2048xf32>
    %reduce_min3A_92 = vector.multi_reduction <minimumf>, %select_n3A_90, %reduce_min3A_91 [1] : vector<2048x64xf32> to vector<2048xf32>
    %broadcast_in_dim3A_93 = vector.shape_cast %reduce_min3A_92 : vector<2048xf32> to vector<2048x1xf32>
    %eq3A_94 = vector.broadcast %broadcast_in_dim3A_93 : vector<2048x1xf32> to vector<2048x64xf32>
    %eq3A_95 = arith.cmpf oeq, %convert_element_type3A_9, %eq3A_94 : vector<2048x64xf32>
    %jit3A_96 = arith.constant 0xFF800000 : f32
    %broadcast_in_dim3A_97 = vector.broadcast %jit3A_96 : f32 to vector<2048x64xf32>
    %select_n3A_98 = arith.select %eq3A_95, %broadcast_in_dim3A_97, %select_n3A_82 : vector<2048x64xi1>, vector<2048x64xf32>
    %reduce_max3A_99 = arith.constant dense<0xFF800000> : vector<2048xf32>
    %reduce_max3A_100 = vector.multi_reduction <maximumf>, %select_n3A_98, %reduce_max3A_99 [1] : vector<2048x64xf32> to vector<2048xf32>
    %broadcast_in_dim3A_101 = vector.shape_cast %reduce_max3A_100 : vector<2048xf32> to vector<2048x1xf32>
    %ge3A_102 = vector.broadcast %broadcast_in_dim3A_101 : vector<2048x1xf32> to vector<2048x64xf32>
    %ge3A_103 = arith.cmpf oge, %select_n3A_98, %ge3A_102 : vector<2048x64xf32>
    %jit3A_104 = arith.constant 6.400000e+01 : f32
    %broadcast_in_dim3A_105 = vector.broadcast %jit3A_104 : f32 to vector<2048x64xf32>
    %select_n3A_106 = arith.select %ge3A_103, %convert_element_type3A_9, %broadcast_in_dim3A_105 : vector<2048x64xi1>, vector<2048x64xf32>
    %reduce_min3A_107 = arith.constant dense<0x7F800000> : vector<2048xf32>
    %reduce_min3A_108 = vector.multi_reduction <minimumf>, %select_n3A_106, %reduce_min3A_107 [1] : vector<2048x64xf32> to vector<2048xf32>
    %broadcast_in_dim3A_109 = vector.shape_cast %reduce_min3A_108 : vector<2048xf32> to vector<2048x1xf32>
    %eq3A_110 = vector.broadcast %broadcast_in_dim3A_109 : vector<2048x1xf32> to vector<2048x64xf32>
    %eq3A_111 = arith.cmpf oeq, %convert_element_type3A_9, %eq3A_110 : vector<2048x64xf32>
    %jit3A_112 = arith.constant 0xFF800000 : f32
    %broadcast_in_dim3A_113 = vector.broadcast %jit3A_112 : f32 to vector<2048x64xf32>
    %select_n3A_114 = arith.select %eq3A_111, %broadcast_in_dim3A_113, %select_n3A_98 : vector<2048x64xi1>, vector<2048x64xf32>
    %reduce_max3A_115 = arith.constant dense<0xFF800000> : vector<2048xf32>
    %reduce_max3A_116 = vector.multi_reduction <maximumf>, %select_n3A_114, %reduce_max3A_115 [1] : vector<2048x64xf32> to vector<2048xf32>
    %broadcast_in_dim3A_117 = vector.shape_cast %reduce_max3A_116 : vector<2048xf32> to vector<2048x1xf32>
    %ge3A_118 = vector.broadcast %broadcast_in_dim3A_117 : vector<2048x1xf32> to vector<2048x64xf32>
    %ge3A_119 = arith.cmpf oge, %select_n3A_114, %ge3A_118 : vector<2048x64xf32>
    %jit3A_120 = arith.constant 6.400000e+01 : f32
    %broadcast_in_dim3A_121 = vector.broadcast %jit3A_120 : f32 to vector<2048x64xf32>
    %select_n3A_122 = arith.select %ge3A_119, %convert_element_type3A_9, %broadcast_in_dim3A_121 : vector<2048x64xi1>, vector<2048x64xf32>
    %reduce_min3A_123 = arith.constant dense<0x7F800000> : vector<2048xf32>
    %reduce_min3A_124 = vector.multi_reduction <minimumf>, %select_n3A_122, %reduce_min3A_123 [1] : vector<2048x64xf32> to vector<2048xf32>
    %broadcast_in_dim3A_125 = vector.shape_cast %reduce_min3A_124 : vector<2048xf32> to vector<2048x1xf32>
    %concatenate3A = tpu.concatenate %broadcast_in_dim3A, %broadcast_in_dim3A_21, %broadcast_in_dim3A_37, %broadcast_in_dim3A_53, %broadcast_in_dim3A_69, %broadcast_in_dim3A_85, %broadcast_in_dim3A_101, %broadcast_in_dim3A_117 in 1 : vector<2048x1xf32>, vector<2048x1xf32>, vector<2048x1xf32>, vector<2048x1xf32>, vector<2048x1xf32>, vector<2048x1xf32>, vector<2048x1xf32>, vector<2048x1xf32> -> vector<2048x8xf32>
    %concatenate3A_126 = tpu.concatenate %broadcast_in_dim3A_14, %broadcast_in_dim3A_29, %broadcast_in_dim3A_45, %broadcast_in_dim3A_61, %broadcast_in_dim3A_77, %broadcast_in_dim3A_93, %broadcast_in_dim3A_109, %broadcast_in_dim3A_125 in 1 : vector<2048x1xf32>, vector<2048x1xf32>, vector<2048x1xf32>, vector<2048x1xf32>, vector<2048x1xf32>, vector<2048x1xf32>, vector<2048x1xf32>, vector<2048x1xf32> -> vector<2048x8xf32>
    %slice3A = vector.extract_strided_slice %concatenate3A {offsets = [0, 0], sizes = [2048, 1], strides = [1, 1]} : vector<2048x8xf32> to vector<2048x1xf32>
    %sub3A = vector.broadcast %slice3A : vector<2048x1xf32> to vector<2048x8xf32>
    %sub3A_127 = arith.subf %concatenate3A, %sub3A : vector<2048x8xf32>
    %exp3A = math.exp %sub3A_127 : vector<2048x8xf32>
    %reduce_sum3A = arith.constant dense<0.000000e+00> : vector<2048xf32>
    %reduce_sum3A_128 = vector.multi_reduction <add>, %exp3A, %reduce_sum3A [1] : vector<2048x8xf32> to vector<2048xf32>
    %broadcast_in_dim3A_129 = vector.shape_cast %reduce_sum3A_128 : vector<2048xf32> to vector<2048x1xf32>
    %div3A = vector.broadcast %broadcast_in_dim3A_129 : vector<2048x1xf32> to vector<2048x8xf32>
    %div3A_130 = arith.divf %exp3A, %div3A : vector<2048x8xf32>
    %swap3A_131 = arith.constant 0 : index
    %swap3A_132 = arith.constant 0 : index
    %swap3A_133 = vector.load %arg4[%swap3A_131, %swap3A_132] : memref<2048x8xf32, #tpu.memory_space<vmem>>, vector<2048x8xf32>
    tpu.vector_store %arg4[%swap3A_131, %swap3A_132], %div3A_130 {strides = array<i32>} : memref<2048x8xf32, #tpu.memory_space<vmem>>, vector<2048x8xf32>,
    %convert_element_type3A_134 = arith.fptosi %concatenate3A_126 : vector<2048x8xf32> to vector<2048x8xi32>
    %swap3A_135 = arith.constant 0 : index
    %swap3A_136 = arith.constant 0 : index
    %swap3A_137 = vector.load %arg5[%swap3A_135, %swap3A_136] : memref<2048x8xi32, #tpu.memory_space<vmem>>, vector<2048x8xi32>
    tpu.vector_store %arg5[%swap3A_135, %swap3A_136], %convert_element_type3A_134 {strides = array<i32>} : memref<2048x8xi32, #tpu.memory_space<vmem>>, vector<2048x8xi32>,
    return
  }
  func.func @transform_0(%arg0: i32) -> (i32, i32) {
    %c0_i32 = arith.constant 0 : i32
    %c0_i32_0 = arith.constant 0 : i32
    %c0_i32_1 = arith.constant 0 : i32
    return %c0_i32, %c0_i32_0 : i32, i32
  }
  func.func @transform_1(%arg0: i32) -> (i32, i32) {
    %c0_i32 = arith.constant 0 : i32
    %c0_i32_0 = arith.constant 0 : i32
    %c0_i32_1 = arith.constant 0 : i32
    return %c0_i32, %c0_i32_0 : i32, i32
  }
  func.func @transform_2(%arg0: i32) -> (i32, i32) {
    %c0_i32 = arith.constant 0 : i32
    %c0_i32_0 = arith.constant 0 : i32
    %c0_i32_1 = arith.constant 0 : i32
    return %c0_i32, %c0_i32_0 : i32, i32
  }
  func.func @transform_3(%arg0: i32) -> (i32, i32) {
    %c0_i32 = arith.constant 0 : i32
    %c0_i32_0 = arith.constant 0 : i32
    %c0_i32_1 = arith.constant 0 : i32
    return %c0_i32, %c0_i32_0 : i32, i32
  }
  func.func @transform_4(%arg0: i32) -> (i32, i32) {
    %c0_i32 = arith.constant 0 : i32
    %c0_i32_0 = arith.constant 0 : i32
    %c0_i32_1 = arith.constant 0 : i32
    return %c0_i32, %c0_i32_0 : i32, i32
  }
  func.func @transform_5(%arg0: i32) -> (i32, i32) {
    %c0_i32 = arith.constant 0 : i32
    %c0_i32_0 = arith.constant 0 : i32
    %c0_i32_1 = arith.constant 0 : i32
    return %c0_i32, %c0_i32_0 : i32, i32
  }
}

</mosaic_0001>

<sc_bundles>
// kernel: kernel.5.cloned.1.call-start
scs
__scs_entry_jumppad:
0x0: {  	(pc) =	sbr.rel $0x88, $3  }
0x1: {  	(tag) =	ssettag $0x0;
	lr =	simm.s32 $0x1  }
0x2: {  	[smem:$0x3F9F] =	sst lr;
	_ =	strace $0xD0000000  }
0x3: {  	_ = 	snop  }
0x4: {  	_ = 	snop  }
0x5: {  	_ = 	snop  }
0x6: {  	_ = 	snop  }
0x7: {  	_ = 	snop  }
__scs_overlays_trampoline_lowered:
0x8: {  	[smem:$0x3FAE] =	sst s0  }
0x9: {  	[smem:$0x3FAF] =	sst s1  }
0xa: {  	[smem:$0x3FB0] =	sst s2  }
0xb: {  	[smem:$0x3FB1] =	sst s3  }
0xc: {  	[smem:$0x3FB2] =	sst s4  }
0xd: {  	[smem:$0x3FB3] =	sst s5  }
0xe: {  	[smem:$0x3FB4] =	sst s6  }
0xf: {  	[smem:$0x3FB5] =	sst s7  }
0x10: {  	[smem:$0x3FB6] =	sst s8  }
0x11: {  	[smem:$0x3FB7] =	sst s9;
	s0 =	simm.s32 @!p0 $0x0  }
0x12: {  	s1 =	sld [smem:$0x3F9D];
	s0 =	simm.s32 @p0 $0x1  }
0x13: {  	[smem:$0x3FB8] =	sst s0;
	s0 =	simm.s32 @!p1 $0x0  }
0x14: {  	s2 =	sld [smem:$0x3F9C];
	s0 =	simm.s32 @p1 $0x1  }
0x15: {  	[smem:$0x3FB9] =	sst s0;
	s0 =	simm.s32 @!p2 $0x0  }
0x16: {  	s3 =	sld [smem:$0x3FDB];
	s0 =	simm.s32 @p2 $0x1  }
0x17: {  	s4 =	simm.s32 $0x1BF5;
	[smem:$0x3FBB] =	sst s0  }
0x18: {  	s0 =	sld [smem:$0x3F9E];
	_ =	swait.ge [sflag:s4], $0x0  }
0x19: {  	s7 =	sld [smem:$0x3F9F]  }
0x1a: {  	s8 =	sadd.s32 $0xFFFFE003, lr  }
0x1b: {  	s9 =	sadd.s32 $0xFFFFFEF7, lr;
	s5 =	simm.s32 $0xFFFFFFFF;
	p2 =	slt.u32 s8, $0xFFFFF086  }
0x1c: {  	p1 =	slt.u32 s9, $0xF7A;
	s5 =	simm.s32 @!p2 $0x0  }
0x1d: {  	s5 =	simm.s32 @p1 $0x1;
	p0 =	seq.s32 s7, s2  }
0x1e: {  	s7 =	smul.u32 @!p0 $0xF7A, s2;
	p2 =	seq.s32 @!p0 s5, $0x0  }
0x1f: {  	s9 =	smul.u32 $0xF7A, s1;
	s8 =	simm.s32 @!p0 $0x1BF5;
	p2 =	por !p2, p0  }
0x20: {  	[sflag:s8] =	ssyncset.s32 @!p0 $0xFFFFF086;
	s6 =	sadd.s32 @!p0 s3, s7;
	s7 =	simm.s32 @!p0 $0x108  }
0x21: {  	s3 =	sadd.s32 s3, s9;
	s6 =	sadd.s32 @!p0 $0x88, s6;
	s7 =	simm.s32 @p2 $0x1082  }
0x22: {  	[simem:s7], [sflag:s8] =	dma.local @!p0 [hbm:s6], $0xF7A  }
0x23: {  	s9 =	sor.u32 $0xD0000000, s2;
	s6 =	simm.s32 $0x108;
	_ =	swait.ge @!p0 [sflag:s8], $0x0  }
0x24: {  	s3 =	sadd.s32 $0x88, s3;
	s6 =	simm.s32 @!p1 $0x1082;
	[sflag:s4] =	ssyncset.s32 $0xFFFFF086  }
0x25: {  	[simem:s6], [sflag:s4] =	dma.local [hbm:s3], $0xF7A  }
0x26: {  	[smem:$0x3F9F] =	sst s1;
	(tag) =	ssettag s2;
	_ =	strace s9  }
0x27: {  	s1 =	sld [smem:$0x3FAF]  }
0x28: {  	s2 =	sld [smem:$0x3FB0]  }
0x29: {  	s4 =	sld [smem:$0x3FB2]  }
0x2a: {  	p0 =	seq.s32 s5, $0x0;
	s5 =	sld [smem:$0x3FB3]  }
0x2b: {  	s6 =	sld [smem:$0x3FB4]  }
0x2c: {  	s7 =	sld [smem:$0x3FB5]  }
0x2d: {  	s3 =	simm.s32 $0x108;
	s8 =	sld [smem:$0x3FB6]  }
0x2e: {  	s3 =	simm.s32 @!p0 $0x1082;
	s9 =	sld [smem:$0x3FB7]  }
0x2f: {  	lr =	sadd.s32 s0, s3;
	s0 =	sld [smem:$0x3FAE]  }
0x30: {  	s3 =	sld [smem:$0x3FB1]  }
0x31: {  	[smem:$0x3FBA] =	sst s10  }
0x32: {  	s10 =	sld [smem:$0x3FB8];
	_ =	sdelay $0x3  }
0x33: {  	p0 =	seq.s32 s10, $0x1;
	s10 =	sld [smem:$0x3FBA];
	_ =	sdelay $0x3  }
0x34: {  	[smem:$0x3FBA] =	sst s10  }
0x35: {  	s10 =	sld [smem:$0x3FB9];
	_ =	sdelay $0x3  }
0x36: {  	p1 =	seq.s32 s10, $0x1;
	s10 =	sld [smem:$0x3FBA];
	_ =	sdelay $0x3  }
0x37: {  	[smem:$0x3FBA] =	sst s10  }
0x38: {  	s10 =	sld [smem:$0x3FBB]  }
0x39: {  	_ = 	snop;
	(pc) =	sbr.ind lr, $3  }
0x3a: {  	_ = 	snop  }
0x3b: {  	_ = 	snop  }
0x3c: {  	p2 =	seq.s32 s10, $0x1;
	s10 =	sld [smem:$0x3FBA]  }
0x3d: {  	_ =	shalt  }
0x3e: {  	_ =	shalt  }
0x3f: {  	_ =	shalt  }
0x40: {  	_ =	shalt  }
0x41: {  	_ =	shalt  }
0x42: {  	_ =	shalt  }
0x43: {  	_ =	shalt  }
0x44: {  	_ =	shalt  }
0x45: {  	_ =	shalt  }
0x46: {  	_ =	shalt  }
0x47: {  	_ =	shalt  }
0x48: {  	_ =	shalt  }
0x49: {  	_ =	shalt  }
0x4a: {  	_ =	shalt  }
0x4b: {  	_ =	shalt  }
0x4c: {  	_ =	shalt  }
0x4d: {  	_ =	shalt  }
0x4e: {  	_ =	shalt  }
0x4f: {  	_ =	shalt  }
0x50: {  	_ =	shalt  }
0x51: {  	_ =	shalt  }
0x52: {  	_ =	shalt  }
0x53: {  	_ =	shalt  }
0x54: {  	_ =	shalt  }
0x55: {  	_ =	shalt  }
0x56: {  	_ =	shalt  }
0x57: {  	_ =	shalt  }
0x58: {  	_ =	shalt  }
0x59: {  	_ =	shalt  }
0x5a: {  	_ =	shalt  }
0x5b: {  	_ =	shalt  }
0x5c: {  	_ =	shalt  }
0x5d: {  	_ =	shalt  }
0x5e: {  	_ =	shalt  }
0x5f: {  	_ =	shalt  }
0x60: {  	_ =	shalt  }
0x61: {  	_ =	shalt  }
0x62: {  	_ =	shalt  }
0x63: {  	_ =	shalt  }
0x64: {  	_ =	shalt  }
0x65: {  	_ =	shalt  }
0x66: {  	_ =	shalt  }
0x67: {  	_ =	shalt  }
0x68: {  	_ =	shalt  }
0x69: {  	_ =	shalt  }
0x6a: {  	_ =	shalt  }
0x6b: {  	_ =	shalt  }
0x6c: {  	_ =	shalt  }
0x6d: {  	_ =	shalt  }
0x6e: {  	_ =	shalt  }
0x6f: {  	_ =	shalt  }
0x70: {  	_ =	shalt  }
0x71: {  	_ =	shalt  }
0x72: {  	_ =	shalt  }
0x73: {  	_ =	shalt  }
0x74: {  	_ =	shalt  }
0x75: {  	_ =	shalt  }
0x76: {  	_ =	shalt  }
0x77: {  	_ =	shalt  }
0x78: {  	_ =	shalt  }
0x79: {  	_ =	shalt  }
0x7a: {  	_ =	shalt  }
0x7b: {  	_ =	shalt  }
0x7c: {  	_ =	shalt  }
0x7d: {  	_ =	shalt  }
0x7e: {  	_ =	shalt  }
0x7f: {  	_ =	shalt  }
0x80: {  	_ =	shalt  }
0x81: {  	_ =	shalt  }
0x82: {  	_ =	shalt  }
0x83: {  	_ =	shalt  }
0x84: {  	_ =	shalt  }
0x85: {  	_ =	shalt  }
0x86: {  	_ =	shalt  }
0x87: {  	_ =	shalt  }
.Lfunc_end0:
.L_simem_size_0:
called_computation_lowered:
.L_overlay_start_0:
0x88: {  	s2 =	sld [smem:$0x3FD9]  }
0x89: {  	s3 =	sld [smem:$0x3FFE];
	_ =	sdelay $0x1  }
0x8a: {  	s1 =	srdreg.scid  }
0x8b: {  	s0 =	sand.u32 $0x1, s1  }
0x8c: {  	s16 =	sshll.u32 s0, $0xA;
	s2 =	sadd.s32 s3, s2  }
0x8d: {  	s2 =	sadd.s32 s2, s16  }
0x8e: {  	[smem:$0x3FC6] =	sst s2  }
0x8f: {  	_ = 	snop  }
0x90: {  	(tm) =	ssettm $0x1  }
0x91: {  	s17 =	sld [smem:$0x3FFB];
	_ =	sdelay $0x3  }
0x92: {  	_ =	strace s17  }
0x93: {  	s2 =	sld [smem:$0x3FFC];
	_ =	sdelay $0x3  }
0x94: {  	_ =	strace s2  }
0x95: {  	s2 =	sld [smem:$0x3FFD];
	_ =	sdelay $0x3  }
0x96: {  	_ =	strace s2  }
0x97: {  	_ =	strace $0x8FFFFFFF  }
0x98: {  	s18 =	sld [smem:$0x3FDB];
	_ =	sdelay $0x1  }
0x99: {  	s19 =	simm.s32 $_scs_section_size  }
0x9a: {  	s4 =	simm.s32 $_size__tile_overlayer_lowered;
	s5 =	simm.s32 $_tile_overlayer_lowered  }
0x9b: {  	s22 =	simm.s32 $0x1BFF;
	s21 =	sshll.u32 s5, $0x1;
	s2 =	sadd.s32 s19, s18  }
0x9c: {  	s6 =	simm.s32 $0x0;
	s20 =	sshll.u32 s4, $0x1;
	s4 =	sadd.s32 s21, s2  }
0x9d: {  	[timem:s6], [sflag:s22] =	dma.local [hbm:s4], s20  }
0x9e: {  	_ =	swait.ge [sflag:s22], s20  }
0x9f: {  	s3 =	ssub.s32 $0x0, s20;
	[sflag:s22] =	ssyncset.done $0x0  }
0xa0: {  	[sflag:s22] =	ssyncadd.s32 s3;
	_ =	sdelay $0x1  }
0xa1: {  	s23 =	simm.s32 $0x1B8B  }
0xa2: {  	_ =	swait.ge [sflag:s23], $0x1  }
0xa3: {  	[sflag:s23] =	ssyncset.done $0x0  }
0xa4: {  	s25 =	simm.s32 $0x1B8E;
	s24 =	sld [smem:$0x3FFE];
	[sflag:s23] =	ssyncadd.s32 $0xFFFFFFFF  }
0xa5: {  	s26 =	simm.s32 $execute0_lowered;
	[smem:$0x3FD2] =	sst s25  }
0xa6: {  	s4 =	sshll.u32 s26, $0x1;
	_ =	strace $0x80000046;
	[dreg:$0x1] =	wrdreg $0xFFFFFFFF  }
0xa7: {  	s28 =	simm.s32 $_size_execute0_lowered;
	s2 =	sadd.s32 s2, s4;
	[dreg:$0x0] =	wrdreg $0x0  }
0xa8: {  	s4 =	sshll.u32 s28, $0x1;
	[dreg:$0x2] =	wrdreg s2  }
0xa9: {  	[dreg:$0x3] =	wrdreg s4  }
0xaa: {  	[dreg:$0x4] =	wrdreg $0xC0  }
0xab: {  	_ =	task [dreg:s6], $0x5FFFF  }
0xac: {  	[dreg:$0x1] =	wrdreg $0xFFFFFFFF  }
0xad: {  	[dreg:$0x0] =	wrdreg $0x60  }
0xae: {  	[dreg:$0x2] =	wrdreg s24  }
0xaf: {  	[dreg:$0x3] =	wrdreg $0x9  }
0xb0: {  	_ =	task.clear_ibuf [dreg:s6], $0x4FFFF;
	_ =	strace $0x90000046  }
0xb1: {  	s29 =	simm.s32 $0x9;
	_ =	strace $0x80000048  }
0xb2: {  	_ =	swait.ge [sflag:s29], $0x1  }
0xb3: {  	[sflag:s29] =	ssyncadd.s32 $0xFFFFFFFF  }
0xb4: {  	_ =	strace $0x90000048  }
0xb5: {  	_ =	sfence  }
0xb6: {  	s30 =	sld [smem:$0x0];
	_ =	sdelay $0x2  }
0xb7: {  	s31 =	sshll.u32 s1, $0xD;
	s1 =	sshrl.u32 s1, $0x2  }
0xb8: {  	s3 =	sand.u32 $0x4000, s31;
	s1 =	sadd.s32 s1, s30  }
0xb9: {  	s0 =	sor.u32 s3, s0;
	s1 =	sshll.u32 s1, $0x11  }
0xba: {  	s0 =	sor.u32 s1, s0  }
0xbb: {  	s0 =	sadd.s32 $0x8F2B, s0  }
0xbc: {  	[sflag:s0] =	ssyncadd.remote.s32 $0x1  }
0xbd: {  	_ =	sfence.sel $0xFFFF  }
0xbe: {  	[dreg:$0x0] =	wrdreg $0xFFFFFFFF;
	(pc) =	sbr.abs _section_cstart, $3  }
0xbf: {  	[dreg:$0x1] =	wrdreg $0xFFFFFFFF  }
0xc0: {  	_ =	task.clear_ibuf [dreg:s6], $0x2FFFF;
	_ =	strace $0x9FFFFFFF  }
0xc1: {  	(tm) =	ssettm $0x7FFFFFFF  }
tec
execute0_lowered:
.L_overlay_start_1:
0x0: {  	(tag) =	ssettag $0x1  }
0x1: {  	s5 =	rddreg [dreg:$0x0]  }
0x2: {  	s0 =	rddreg [dreg:$0x1]  }
0x3: {  	s1 =	simm.s32 $0x0;
	s2 =	srdreg.scid;
	s8 =	simm.s32 $0xC000  }
0x4: {  	s9 =	simm.s32 $0x0;
	[smem:$0x7FF] =	sst s1;
	s4 =	sand.u32 $0x1, s2  }
0x5: {  	s3 =	sadd.s32 $0x300C00, s5;
	s2 =	stileid.u32;
	s6 =	ssub.s32 $0x2, s4  }
0x6: {  	s5 =	sadd.s32 $0x240C00, s5;
	_ =	strace $0x80000047;
	s7 =	sshrl.u32 s6, $0x1  }
0x7: {  	s31 =	sshll.u32 s2, $0x3;
	s4 =	sshll.u32 s4, $0x2;
	s6 =	ssub.s32 s6, s7  }
0x8: {  	s4 =	sor.u32 s4, s31;
	s7 =	simm.s32 $0x1;
	s6 =	smax.u32 s6, $0x1  }
.LBB2_1:
0x9: {  	s10 =	simm.s32 $0x0  }
.LBB2_2:
0xa: {  	s11 =	sadd.s32 s4, s10  }
0xb: {  	s12 =	smul.u32 $0x1800, s11;
	_ =	sdelay $0x1  }
0xc: {  	s13 =	sadd.s32 s12, s5;
	s12 =	simm.s32 $0x0  }
0xd: {  	[tilespmem:s12], [sflag:$0x1] =	stream.linear.gather [hbm4b:s13+s12], $0xC000, $0x38;
	[tilespmem:$0xF000] =	vst v63  }
0xe: {  	_ =	swait.ge [sflag:s7], $0xC000  }
0xf: {  	[sflag:s7] =	ssyncset.done $0x0  }
0x10: {  	s13 =	simm.s32 $0x0;
	[sflag:s7] =	ssyncadd.s32 $0xFFFF4000  }
.LBB2_3:
0x11: {  	s14 =	sshrl.u32 s13, $0x3  }
0x12: {  	s15 =	smul.u32 $0xC000, s14  }
0x13: {  	s14 =	smul.u32 $0x6000, s14  }
0x14: {  	s16 =	sshll.u32 s13, $0x7  }
0x15: {  	s20 =	simm.s32 $0x0;
	s16 =	sand.u32 $0x380, s16;
	s14 =	sshra.s32 s14, $0x2  }
0x16: {  	s15 =	sshra.s32 s15, $0x2;
	s31 =	sor.u32 s16, s14;
	s14 =	sand.u32 $0x1C00, s12  }
0x17: {  	s18 =	sor.u32 s16, s15;
	s16 =	sand.u32 $0x70, s12;
	s21 =	sadd.s32 $0x1800, s14  }
0x18: {  	s17 =	sadd.s32 $0x6000, s18;
	s15 =	sadd.s32 $0xC000, s31;
	s19 =	sadd.s32 s21, s18  }
0x19: {  	s22 =	sadd.s32 s14, s18;
	s23 =	sadd.s32 s16, s19;
	s19 =	simm.s32 $0x10  }
.LBB2_4:
0x1a: {  	p0 =	sne.s32 s19, $0x2F0;
	s22 =	sadd.s32 s16, s22;
	v0 =	vld [tilespmem:s23+$0x0];
	s23 =	sadd.s32 s14, s17  }
0x1b: {  	s21 =	sadd.s32 s21, s17;
	v1 =	vld [tilespmem:s22+$0x0];
	s22 =	sadd.s32 s16, s23  }
0x1c: {  	s21 =	sadd.s32 s16, s21;
	v2 =	vld [tilespmem:s22+$0x0]  }
0x1d: {  	v3 =	vld [tilespmem:s21+$0x0];
	_ =	sdelay $0x4  }
0x1e: {  	v0 =	vadd.f32 v0, v1;
	v1 =	vadd.f32 v3, v2;
	_ =	sdelay $0x1  }
.Ltmp0:
0x1f: {  	s20 =	sadd.s32 $0x80, s20;
	v0 =	vadd.f32 v1, v0;
	(pc) =	sbr.rel @p0 .LBB2_4-.Ltmp0, $4  }
0x20: {  	s22 =	sand.u32 $0x1C00, s20  }
0x21: {  	s23 =	sadd.s32 s14, s15;
	s21 =	sadd.s32 $0x1800, s22;
	s14 =	smov.u32 s22;
	v0 =	vmul.f32 $2.500000000e-01, v0  }
0x22: {  	s25 =	sadd.s32 s16, s23;
	s16 =	sand.u32 $0x70, s19;
	s24 =	sadd.s32 s21, s18  }
0x23: {  	s19 =	sadd.s32 $0x10, s19;
	s22 =	sadd.s32 s14, s18;
	s23 =	sadd.s32 s16, s24;
	[tilespmem:s25+$0x0] =	vst v0  }
0x24: {  	s18 =	sadd.s32 s16, s22;
	v0 =	vld [tilespmem:s23+$0x0];
	s19 =	sadd.s32 s14, s17  }
0x25: {  	s30 =	sadd.s32 s21, s17;
	v1 =	vld [tilespmem:s18+$0x0];
	s29 =	sadd.s32 s16, s19  }
0x26: {  	s17 =	sadd.s32 s16, s30;
	v2 =	vld [tilespmem:s29+$0x0]  }
0x27: {  	v3 =	vld [tilespmem:s17+$0x0];
	_ =	sdelay $0x4  }
0x28: {  	s13 =	sadd.s32 $0x1, s13;
	v0 =	vadd.f32 v0, v1;
	v63 =	vadd.f32 v3, v2  }
0x29: {  	p0 =	sne.s32 s13, $0x10  }
.Ltmp1:
0x2a: {  	v0 =	vadd.f32 v63, v0;
	(pc) =	sbr.rel @p0 .LBB2_3-.Ltmp1, $4  }
0x2b: {  	_ = 	snop  }
0x2c: {  	s31 =	sadd.s32 s14, s15;
	v0 =	vmul.f32 $2.500000000e-01, v0  }
0x2d: {  	s14 =	sadd.s32 s16, s31  }
0x2e: {  	[tilespmem:s14+$0x0] =	vst v0  }
0x2f: {  	s11 =	smul.u32 $0x600, s11;
	s10 =	sadd.s32 $0x1, s10  }
0x30: {  	p0 =	sne.s32 s10, $0x4  }
.Ltmp2:
0x31: {  	s11 =	sadd.s32 s3, s11;
	(pc) =	sbr.rel @p0 .LBB2_2-.Ltmp2, $4  }
0x32: {  	[hbm4b:s11+s1] =	stream.linear.scatter [tilespmem:s8], [sflag:$0x1], $0x3000, $0x38;
	[tilespmem:$0xF000] =	vst v63  }
0x33: {  	_ =	swait.ge [sflag:s7], $0x3000  }
0x34: {  	[sflag:s7] =	ssyncset.done $0x0  }
0x35: {  	[sflag:s7] =	ssyncadd.s32 $0xFFFFD000  }
0x36: {  	s9 =	sadd.s32 $0x1, s9  }
0x37: {  	p0 =	sne.s32 s9, s6  }
.Ltmp3:
0x38: {  	_ = 	snop;
	(pc) =	sbr.rel @p0 .LBB2_1-.Ltmp3, $1  }
0x39: {  	_ =	sdelay $0x3  }
0x3a: {  	_ =	sfence.sel $0x180000  }
0x3b: {  	[bflag:$0x0] =	sbarrier.arrive $0xFFFF  }
0x3c: {  	p0 =	sne.s32 s2, $0x0;
	_ =	strace $0x90000047  }
0x3d: {  	s0 =	sadd.s32 @!p0 $0x100000, s0;
	[bflag:$0x2] =	sbarrier.arrive $0xFFFF  }
0x3e: {  	[sflag:s0] =	ssyncadd.tile.s32 @!p0 $0x1;
	_ =	shalt  }
.Lfunc_end2:
_tile_overlayer_lowered:
.L_overlay_start_2:
0x3f: {  	(tag) =	ssettag $0x2  }
0x40: {  	s0 =	rddreg [dreg:$0x0];
	s2 =	stileid.u32  }
0x41: {  	s1 =	rddreg [dreg:$0x1];
	p0 =	sne.s32 s2, $0x0  }
0x42: {  	s3 =	rddreg [dreg:$0x2];
	[bflag:$0x3] =	sbarrier.arrive $0xFFFF;
	s2 =	simm.s32 @!p0 $0x1C01  }
0x43: {  	[timem:s3], [sflag:s2] =	dma.local @!p0 [hbm:s0], s1  }
0x44: {  	s0 =	simm.s32 @!p0 $0x1  }
0x45: {  	_ =	swait.ge @!p0 [sflag:s0], s1  }
0x46: {  	s1 =	ssub.s32 @!p0 $0x0, s1;
	[sflag:s0] =	ssyncset.done @!p0 $0x0  }
0x47: {  	[sflag:s0] =	ssyncadd.s32 @!p0 s1  }
0x48: {  	[bflag:$0x3] =	sbarrier.arrive $0xFFFF  }
0x49: {  	_ =	shalt  }

</sc_bundles>
